<compile_context>
chip_gen: v7x
topology: tpu7x:2x2x1
jax: 0.10.2.dev20260603
libtpu: 0.0.44.dev20260713+nightly
codegen_flags: <defaults>
</compile_context>

<pallas_src>
import functools

import jax
import jax.numpy as jnp
from jax import lax
from jax.experimental import pallas as pl
from jax.experimental.pallas import tpu as pltpu
from jax.experimental.pallas import tpu_sc as plsc

VOCAB = 100000
EMBED_DIM = 32
BATCH = 1024
CTX = 20

NC = 2
NS = 16
NW = NC * NS
B_PER_W = BATCH // NW
IDX_PER_W = B_PER_W * CTX
IDX_CHUNK = 128
N_CHUNKS = IDX_PER_W // IDX_CHUNK


def _pool_body(idx_hbm, emb_hbm, out_hbm, idx_v, rows_v, pooled_v, sem):
    c = lax.axis_index("c")
    s = lax.axis_index("s")
    wid = s * NC + c

    pltpu.sync_copy(idx_hbm.at[wid], idx_v)

    cps = [
        pltpu.async_copy(
            emb_hbm.at[idx_v.at[j]],
            rows_v.at[pl.ds(j * IDX_CHUNK, IDX_CHUNK)],
            sem,
        )
        for j in range(N_CHUNKS)
    ]
    for cp in cps:
        cp.wait()

    def row_body(b, carry):
        base = b * CTX
        acc0 = jnp.zeros((16,), jnp.float32)
        acc1 = jnp.zeros((16,), jnp.float32)
        for k in range(CTX):
            acc0 = acc0 + rows_v[base + k, pl.ds(0, 16)]
            acc1 = acc1 + rows_v[base + k, pl.ds(16, 16)]
        pooled_v[b, pl.ds(0, 16)] = acc0 * (1.0 / CTX)
        pooled_v[b, pl.ds(16, 16)] = acc1 * (1.0 / CTX)
        return carry

    lax.fori_loop(0, B_PER_W, row_body, 0)

    pltpu.sync_copy(pooled_v, out_hbm.at[pl.ds(wid * B_PER_W, B_PER_W)])


_sc_pool = functools.partial(
    pl.kernel,
    out_type=jax.ShapeDtypeStruct((BATCH, EMBED_DIM), jnp.float32),
    mesh=plsc.VectorSubcoreMesh(core_axis_name="c", subcore_axis_name="s"),
    scratch_types=[
        pltpu.VMEM((N_CHUNKS, IDX_CHUNK), jnp.int32),
        pltpu.VMEM((IDX_PER_W, EMBED_DIM), jnp.float32),
        pltpu.VMEM((B_PER_W, EMBED_DIM), jnp.float32),
        pltpu.SemaphoreType.DMA,
    ],
    compiler_params=pltpu.CompilerParams(use_tc_tiling_on_sc=False),
)(_pool_body)


B_GRP = 256
V_BLK = 12800
N_BG = BATCH // B_GRP
N_VB = pl.cdiv(VOCAB, V_BLK)


NBUF = 3
NSPLIT = 8
R_SUB = B_GRP // NSPLIT
N_STEPS = N_BG * N_VB
V_TAIL = VOCAB - (N_VB - 1) * V_BLK


def _proj_body(x_ref, wt_ref, b_ref, o_ref, acc, tailb, sems, tail_sem):
    g = pl.program_id(0)
    v = pl.program_id(1)
    i = g * N_VB + v
    slot = lax.rem(i, NBUF)

    res = (
        lax.dot_general(
            x_ref[...],
            wt_ref[...],
            (((1,), (0,)), ((), ())),
            preferred_element_type=jnp.float32,
        )
        + b_ref[...]
    )

    @pl.when(v < N_VB - 1)
    def _full():
        @pl.when(i >= NBUF)
        def _wait_prev():
            for r in range(NSPLIT):
                pltpu.make_async_copy(
                    acc.at[slot, pl.ds(0, R_SUB), pl.ds(0, V_BLK)],
                    o_ref.at[pl.ds(0, R_SUB), pl.ds(0, V_BLK)],
                    sems.at[slot],
                ).wait()

        acc[slot] = res
        for k in range(NBUF):
            @pl.when(slot == k)
            def _start():
                for r in range(NSPLIT):
                    pltpu.make_async_copy(
                        acc.at[k, pl.ds(r * R_SUB, R_SUB), pl.ds(0, V_BLK)],
                        o_ref.at[
                            pl.ds(g * B_GRP + r * R_SUB, R_SUB),
                            pl.ds(v * V_BLK, V_BLK),
                        ],
                        sems.at[k],
                    ).start()

    @pl.when(v == N_VB - 1)
    def _tail():
        @pl.when(g >= 1)
        def _wait_tail():
            pltpu.make_async_copy(
                tailb,
                o_ref.at[pl.ds(0, B_GRP), pl.ds((N_VB - 1) * V_BLK, V_TAIL)],
                tail_sem,
            ).wait()

        tailb[...] = res[:, :V_TAIL]
        pltpu.make_async_copy(
            tailb,
            o_ref.at[pl.ds(g * B_GRP, B_GRP), pl.ds((N_VB - 1) * V_BLK, V_TAIL)],
            tail_sem,
        ).start()

        @pl.when(i == N_STEPS - 1)
        def _drain():
            for k in range(NBUF):
                for r in range(NSPLIT):
                    pltpu.make_async_copy(
                        acc.at[k, pl.ds(0, R_SUB), pl.ds(0, V_BLK)],
                        o_ref.at[pl.ds(0, R_SUB), pl.ds(0, V_BLK)],
                        sems.at[k],
                    ).wait()
            pltpu.make_async_copy(
                tailb,
                o_ref.at[pl.ds(0, B_GRP), pl.ds((N_VB - 1) * V_BLK, V_TAIL)],
                tail_sem,
            ).wait()


def _projection(pooled, Wt, b2):
    return pl.pallas_call(
        _proj_body,
        grid=(N_BG, N_VB),
        in_specs=[
            pl.BlockSpec((B_GRP, EMBED_DIM), lambda g, v: (g, 0)),
            pl.BlockSpec((EMBED_DIM, V_BLK), lambda g, v: (0, v)),
            pl.BlockSpec((1, V_BLK), lambda g, v: (0, v)),
        ],
        out_specs=pl.BlockSpec(memory_space=pl.ANY),
        out_shape=jax.ShapeDtypeStruct((BATCH, VOCAB), jnp.float32),
        scratch_shapes=[
            pltpu.VMEM((NBUF, B_GRP, V_BLK), jnp.float32),
            pltpu.VMEM((B_GRP, V_TAIL), jnp.float32),
            pltpu.SemaphoreType.DMA((NBUF,)),
            pltpu.SemaphoreType.DMA,
        ],
        compiler_params=pltpu.CompilerParams(
            vmem_limit_bytes=110 * 1024 * 1024,
        ),
    )(pooled, Wt, b2)


def kernel(inputs, emb, W, b):
    idx = inputs.astype(jnp.int32).reshape(NW, N_CHUNKS, IDX_CHUNK)
    pooled = _sc_pool(idx, emb)
    return _projection(pooled, W.T, b.reshape(1, VOCAB))

# --- scband reference (transcript-rebuilt; emitter-appended) ---
"""Pipeline reference for scband-cbowmodel-31756988186812 (READ-ONLY COPY).

The authoritative reference and input builder live on the scoring server;
editing this copy changes nothing except your own understanding.
"""

import jax, jax.numpy as jnp
import numpy as np

VOCAB = 100000
EMBED_DIM = 32
BATCH = 1024
CTX = 20

def setup_inputs(seed: int = 0) -> dict:
    key = jax.random.key(seed)
    k1, k2, k3 = jax.random.split(key, 3)
    inputs = jax.random.randint(k1, (BATCH, CTX), 0, VOCAB, dtype=jnp.int64)
    emb = jax.random.normal(k2, (VOCAB, EMBED_DIM), dtype=jnp.float32) * 0.02
    W = jax.random.normal(k3, (VOCAB, EMBED_DIM), dtype=jnp.float32) * 0.02
    b = jnp.zeros((VOCAB,), dtype=jnp.float32)
    return {"inputs": inputs, "emb": emb, "W": W, "b": b}

def reference(inputs, emb, W, b):
    # nn.Embedding lookup: gather rows of the table
    embeds = jnp.take(emb, inputs, axis=0)            # [B, CTX, D]
    # mean over context window (dim=1)
    out = jnp.mean(embeds, axis=1)                    # [B, D]
    # dropout(p=0.3) is identity at inference time
    # nn.Linear(embedding_dim, vocab_size): y = x @ W.T + b
    logits = out @ W.T + b                            # [B, V]
    return logits

if __name__ == "__main__":
    import jax
    _d = setup_inputs()
    print(jax.jit(kernel)(*tuple(_d.values())))

</pallas_src>

<mosaic_0001>
#map = affine_map<(d0, d1) -> (0, 0, 0)>
#map1 = affine_map<(d0, d1) -> (0, 0)>
module attributes {stable_mosaic.version = 14 : i64} {
  func.func @_pool_body(%arg0: i32, %arg1: i32, %arg2: memref<32x5x128xi32, #tpu.memory_space<hbm>>, %arg3: memref<100000x32xf32, #tpu.memory_space<hbm>>, %arg4: memref<1024x32xf32, #tpu.memory_space<hbm>>, %arg5: memref<5x128xi32, #tpu.memory_space<vmem>>, %arg6: memref<640x32xf32, #tpu.memory_space<vmem>>, %arg7: memref<32x32xf32, #tpu.memory_space<vmem>>, %arg8: memref<!tpu.dma_semaphore, #tpu.memory_space<semaphore_mem>>) attributes {dimension_semantics = [#tpu.dimension_semantics<core_parallel>, #tpu.dimension_semantics<subcore_parallel>], iteration_bounds = array<i64: 2, 16>, scalar_prefetch = 0 : i64, scratch_operands = 4 : i64, tpu.core_type = #tpu.core_type<sc_vector_subcore>, window_params = [{transform_indices = #map}, {transform_indices = #map1}, {transform_indices = #map1}]} {
    %mul3A = arith.constant 2 : i32
    %mul3A_0 = arith.muli %arg1, %mul3A : i32
    %add3A = arith.addi %mul3A_0, %arg0 : i32
    "tpu.region"() ({
      %run_scoped3A = tpu.sem_alloc : memref<!tpu.dma_semaphore, #tpu.memory_space<semaphore_mem>>
      %dma_start3A_106 = arith.constant 0 : i32
      %dma_start3A_107 = arith.constant 0 : i32
      %dma_start3A_108 = tpu.memref_slice %arg2[%add3A, %dma_start3A_106, %dma_start3A_107] : memref<32x5x128xi32, #tpu.memory_space<hbm>> -> memref<1x5x128xi32, #tpu.memory_space<hbm>>
      %dma_start3A_109 = tpu.memref_squeeze %dma_start3A_108 : memref<1x5x128xi32, #tpu.memory_space<hbm>> -> memref<5x128xi32, #tpu.memory_space<hbm>>
      %dma_start3A_110 = arith.constant 0 : i32
      %dma_start3A_111 = arith.constant 0 : i32
      %dma_start3A_112 = tpu.memref_slice %arg2[%add3A, %dma_start3A_110, %dma_start3A_111] : memref<32x5x128xi32, #tpu.memory_space<hbm>> -> memref<1x5x128xi32, #tpu.memory_space<hbm>>
      %dma_start3A_113 = tpu.memref_squeeze %dma_start3A_112 : memref<1x5x128xi32, #tpu.memory_space<hbm>> -> memref<5x128xi32, #tpu.memory_space<hbm>>
      tpu.enqueue_dma source(%dma_start3A_113 : memref<5x128xi32, #tpu.memory_space<hbm>>) target(%arg5 : memref<5x128xi32, #tpu.memory_space<vmem>>) target_semaphore(%run_scoped3A : memref<!tpu.dma_semaphore, #tpu.memory_space<semaphore_mem>>)
      %dma_wait3A_114 = arith.constant 0 : i32
      %dma_wait3A_115 = arith.constant 0 : i32
      %dma_wait3A_116 = tpu.memref_slice %arg2[%add3A, %dma_wait3A_114, %dma_wait3A_115] : memref<32x5x128xi32, #tpu.memory_space<hbm>> -> memref<1x5x128xi32, #tpu.memory_space<hbm>>
      %dma_wait3A_117 = tpu.memref_squeeze %dma_wait3A_116 : memref<1x5x128xi32, #tpu.memory_space<hbm>> -> memref<5x128xi32, #tpu.memory_space<hbm>>
      %dma_wait3A_118 = arith.constant 0 : i32
      %dma_wait3A_119 = arith.constant 0 : i32
      %dma_wait3A_120 = tpu.memref_slice %arg2[%add3A, %dma_wait3A_118, %dma_wait3A_119] : memref<32x5x128xi32, #tpu.memory_space<hbm>> -> memref<1x5x128xi32, #tpu.memory_space<hbm>>
      %dma_wait3A_121 = tpu.memref_squeeze %dma_wait3A_120 : memref<1x5x128xi32, #tpu.memory_space<hbm>> -> memref<5x128xi32, #tpu.memory_space<hbm>>
      tpu.wait_dma2 semaphore(%run_scoped3A : memref<!tpu.dma_semaphore, #tpu.memory_space<semaphore_mem>>) src(%dma_wait3A_121 : memref<5x128xi32, #tpu.memory_space<hbm>>) dst(%arg5 : memref<5x128xi32, #tpu.memory_space<vmem>>)
      tpu.yield
    }) : () -> ()
    %dma_start3A = arith.constant 0 : i32
    %dma_start3A_1 = arith.constant 0 : i32
    %dma_start3A_2 = arith.constant 0 : i32
    %dma_start3A_3 = tpu.memref_slice %arg6[%dma_start3A_1, %dma_start3A_2] : memref<640x32xf32, #tpu.memory_space<vmem>> -> memref<128x32xf32, #tpu.memory_space<vmem>>
    %dma_start3A_4 = arith.constant 0 : i32
    %dma_start3A_5 = tpu.memref_slice %arg5[%dma_start3A, %dma_start3A_4] : memref<5x128xi32, #tpu.memory_space<vmem>> -> memref<1x128xi32, #tpu.memory_space<vmem>>
    %dma_start3A_6 = tpu.memref_squeeze %dma_start3A_5 : memref<1x128xi32, #tpu.memory_space<vmem>> -> memref<128xi32, #tpu.memory_space<vmem>>
    %dma_start3A_7 = arith.constant 0 : i32
    %dma_start3A_8 = arith.constant 0 : i32
    %dma_start3A_9 = tpu.memref_slice %arg3[%dma_start3A_7, %dma_start3A_8] : memref<100000x32xf32, #tpu.memory_space<hbm>> -> memref<100000x32xf32, #tpu.memory_space<hbm>>
    tpu.enqueue_indirect_dma source(%dma_start3A_9 : memref<100000x32xf32, #tpu.memory_space<hbm>>) target(%dma_start3A_3 : memref<128x32xf32, #tpu.memory_space<vmem>>) offsets(%dma_start3A_6 : memref<128xi32, #tpu.memory_space<vmem>>) semaphore(%arg8 : memref<!tpu.dma_semaphore, #tpu.memory_space<semaphore_mem>>)
    %dma_start3A_10 = arith.constant 1 : i32
    %dma_start3A_11 = arith.constant 128 : i32
    %dma_start3A_12 = arith.constant 0 : i32
    %dma_start3A_13 = tpu.memref_slice %arg6[%dma_start3A_11, %dma_start3A_12] : memref<640x32xf32, #tpu.memory_space<vmem>> -> memref<128x32xf32, #tpu.memory_space<vmem>>
    %dma_start3A_14 = arith.constant 0 : i32
    %dma_start3A_15 = tpu.memref_slice %arg5[%dma_start3A_10, %dma_start3A_14] : memref<5x128xi32, #tpu.memory_space<vmem>> -> memref<1x128xi32, #tpu.memory_space<vmem>>
    %dma_start3A_16 = tpu.memref_squeeze %dma_start3A_15 : memref<1x128xi32, #tpu.memory_space<vmem>> -> memref<128xi32, #tpu.memory_space<vmem>>
    %dma_start3A_17 = arith.constant 0 : i32
    %dma_start3A_18 = arith.constant 0 : i32
    %dma_start3A_19 = tpu.memref_slice %arg3[%dma_start3A_17, %dma_start3A_18] : memref<100000x32xf32, #tpu.memory_space<hbm>> -> memref<100000x32xf32, #tpu.memory_space<hbm>>
    tpu.enqueue_indirect_dma source(%dma_start3A_19 : memref<100000x32xf32, #tpu.memory_space<hbm>>) target(%dma_start3A_13 : memref<128x32xf32, #tpu.memory_space<vmem>>) offsets(%dma_start3A_16 : memref<128xi32, #tpu.memory_space<vmem>>) semaphore(%arg8 : memref<!tpu.dma_semaphore, #tpu.memory_space<semaphore_mem>>)
    %dma_start3A_20 = arith.constant 2 : i32
    %dma_start3A_21 = arith.constant 256 : i32
    %dma_start3A_22 = arith.constant 0 : i32
    %dma_start3A_23 = tpu.memref_slice %arg6[%dma_start3A_21, %dma_start3A_22] : memref<640x32xf32, #tpu.memory_space<vmem>> -> memref<128x32xf32, #tpu.memory_space<vmem>>
    %dma_start3A_24 = arith.constant 0 : i32
    %dma_start3A_25 = tpu.memref_slice %arg5[%dma_start3A_20, %dma_start3A_24] : memref<5x128xi32, #tpu.memory_space<vmem>> -> memref<1x128xi32, #tpu.memory_space<vmem>>
    %dma_start3A_26 = tpu.memref_squeeze %dma_start3A_25 : memref<1x128xi32, #tpu.memory_space<vmem>> -> memref<128xi32, #tpu.memory_space<vmem>>
    %dma_start3A_27 = arith.constant 0 : i32
    %dma_start3A_28 = arith.constant 0 : i32
    %dma_start3A_29 = tpu.memref_slice %arg3[%dma_start3A_27, %dma_start3A_28] : memref<100000x32xf32, #tpu.memory_space<hbm>> -> memref<100000x32xf32, #tpu.memory_space<hbm>>
    tpu.enqueue_indirect_dma source(%dma_start3A_29 : memref<100000x32xf32, #tpu.memory_space<hbm>>) target(%dma_start3A_23 : memref<128x32xf32, #tpu.memory_space<vmem>>) offsets(%dma_start3A_26 : memref<128xi32, #tpu.memory_space<vmem>>) semaphore(%arg8 : memref<!tpu.dma_semaphore, #tpu.memory_space<semaphore_mem>>)
    %dma_start3A_30 = arith.constant 3 : i32
    %dma_start3A_31 = arith.constant 384 : i32
    %dma_start3A_32 = arith.constant 0 : i32
    %dma_start3A_33 = tpu.memref_slice %arg6[%dma_start3A_31, %dma_start3A_32] : memref<640x32xf32, #tpu.memory_space<vmem>> -> memref<128x32xf32, #tpu.memory_space<vmem>>
    %dma_start3A_34 = arith.constant 0 : i32
    %dma_start3A_35 = tpu.memref_slice %arg5[%dma_start3A_30, %dma_start3A_34] : memref<5x128xi32, #tpu.memory_space<vmem>> -> memref<1x128xi32, #tpu.memory_space<vmem>>
    %dma_start3A_36 = tpu.memref_squeeze %dma_start3A_35 : memref<1x128xi32, #tpu.memory_space<vmem>> -> memref<128xi32, #tpu.memory_space<vmem>>
    %dma_start3A_37 = arith.constant 0 : i32
    %dma_start3A_38 = arith.constant 0 : i32
    %dma_start3A_39 = tpu.memref_slice %arg3[%dma_start3A_37, %dma_start3A_38] : memref<100000x32xf32, #tpu.memory_space<hbm>> -> memref<100000x32xf32, #tpu.memory_space<hbm>>
    tpu.enqueue_indirect_dma source(%dma_start3A_39 : memref<100000x32xf32, #tpu.memory_space<hbm>>) target(%dma_start3A_33 : memref<128x32xf32, #tpu.memory_space<vmem>>) offsets(%dma_start3A_36 : memref<128xi32, #tpu.memory_space<vmem>>) semaphore(%arg8 : memref<!tpu.dma_semaphore, #tpu.memory_space<semaphore_mem>>)
    %dma_start3A_40 = arith.constant 4 : i32
    %dma_start3A_41 = arith.constant 512 : i32
    %dma_start3A_42 = arith.constant 0 : i32
    %dma_start3A_43 = tpu.memref_slice %arg6[%dma_start3A_41, %dma_start3A_42] : memref<640x32xf32, #tpu.memory_space<vmem>> -> memref<128x32xf32, #tpu.memory_space<vmem>>
    %dma_start3A_44 = arith.constant 0 : i32
    %dma_start3A_45 = tpu.memref_slice %arg5[%dma_start3A_40, %dma_start3A_44] : memref<5x128xi32, #tpu.memory_space<vmem>> -> memref<1x128xi32, #tpu.memory_space<vmem>>
    %dma_start3A_46 = tpu.memref_squeeze %dma_start3A_45 : memref<1x128xi32, #tpu.memory_space<vmem>> -> memref<128xi32, #tpu.memory_space<vmem>>
    %dma_start3A_47 = arith.constant 0 : i32
    %dma_start3A_48 = arith.constant 0 : i32
    %dma_start3A_49 = tpu.memref_slice %arg3[%dma_start3A_47, %dma_start3A_48] : memref<100000x32xf32, #tpu.memory_space<hbm>> -> memref<100000x32xf32, #tpu.memory_space<hbm>>
    tpu.enqueue_indirect_dma source(%dma_start3A_49 : memref<100000x32xf32, #tpu.memory_space<hbm>>) target(%dma_start3A_43 : memref<128x32xf32, #tpu.memory_space<vmem>>) offsets(%dma_start3A_46 : memref<128xi32, #tpu.memory_space<vmem>>) semaphore(%arg8 : memref<!tpu.dma_semaphore, #tpu.memory_space<semaphore_mem>>)
    %dma_wait3A = arith.constant 0 : i32
    %dma_wait3A_50 = arith.constant 0 : i32
    %dma_wait3A_51 = arith.constant 0 : i32
    %dma_wait3A_52 = tpu.memref_slice %arg6[%dma_wait3A_50, %dma_wait3A_51] : memref<640x32xf32, #tpu.memory_space<vmem>> -> memref<128x32xf32, #tpu.memory_space<vmem>>
    %dma_wait3A_53 = arith.constant 0 : i32
    %dma_wait3A_54 = tpu.memref_slice %arg5[%dma_wait3A, %dma_wait3A_53] : memref<5x128xi32, #tpu.memory_space<vmem>> -> memref<1x128xi32, #tpu.memory_space<vmem>>
    %dma_wait3A_55 = tpu.memref_squeeze %dma_wait3A_54 : memref<1x128xi32, #tpu.memory_space<vmem>> -> memref<128xi32, #tpu.memory_space<vmem>>
    %dma_wait3A_56 = arith.constant 0 : i32
    %dma_wait3A_57 = arith.constant 0 : i32
    %dma_wait3A_58 = tpu.memref_slice %arg3[%dma_wait3A_56, %dma_wait3A_57] : memref<100000x32xf32, #tpu.memory_space<hbm>> -> memref<100000x32xf32, #tpu.memory_space<hbm>>
    tpu.wait_indirect_dma semaphore(%arg8 : memref<!tpu.dma_semaphore, #tpu.memory_space<semaphore_mem>>) src(%dma_wait3A_58 : memref<100000x32xf32, #tpu.memory_space<hbm>>) dst(%dma_wait3A_52 : memref<128x32xf32, #tpu.memory_space<vmem>>)
    %dma_wait3A_59 = arith.constant 1 : i32
    %dma_wait3A_60 = arith.constant 128 : i32
    %dma_wait3A_61 = arith.constant 0 : i32
    %dma_wait3A_62 = tpu.memref_slice %arg6[%dma_wait3A_60, %dma_wait3A_61] : memref<640x32xf32, #tpu.memory_space<vmem>> -> memref<128x32xf32, #tpu.memory_space<vmem>>
    %dma_wait3A_63 = arith.constant 0 : i32
    %dma_wait3A_64 = tpu.memref_slice %arg5[%dma_wait3A_59, %dma_wait3A_63] : memref<5x128xi32, #tpu.memory_space<vmem>> -> memref<1x128xi32, #tpu.memory_space<vmem>>
    %dma_wait3A_65 = tpu.memref_squeeze %dma_wait3A_64 : memref<1x128xi32, #tpu.memory_space<vmem>> -> memref<128xi32, #tpu.memory_space<vmem>>
    %dma_wait3A_66 = arith.constant 0 : i32
    %dma_wait3A_67 = arith.constant 0 : i32
    %dma_wait3A_68 = tpu.memref_slice %arg3[%dma_wait3A_66, %dma_wait3A_67] : memref<100000x32xf32, #tpu.memory_space<hbm>> -> memref<100000x32xf32, #tpu.memory_space<hbm>>
    tpu.wait_indirect_dma semaphore(%arg8 : memref<!tpu.dma_semaphore, #tpu.memory_space<semaphore_mem>>) src(%dma_wait3A_68 : memref<100000x32xf32, #tpu.memory_space<hbm>>) dst(%dma_wait3A_62 : memref<128x32xf32, #tpu.memory_space<vmem>>)
    %dma_wait3A_69 = arith.constant 2 : i32
    %dma_wait3A_70 = arith.constant 256 : i32
    %dma_wait3A_71 = arith.constant 0 : i32
    %dma_wait3A_72 = tpu.memref_slice %arg6[%dma_wait3A_70, %dma_wait3A_71] : memref<640x32xf32, #tpu.memory_space<vmem>> -> memref<128x32xf32, #tpu.memory_space<vmem>>
    %dma_wait3A_73 = arith.constant 0 : i32
    %dma_wait3A_74 = tpu.memref_slice %arg5[%dma_wait3A_69, %dma_wait3A_73] : memref<5x128xi32, #tpu.memory_space<vmem>> -> memref<1x128xi32, #tpu.memory_space<vmem>>
    %dma_wait3A_75 = tpu.memref_squeeze %dma_wait3A_74 : memref<1x128xi32, #tpu.memory_space<vmem>> -> memref<128xi32, #tpu.memory_space<vmem>>
    %dma_wait3A_76 = arith.constant 0 : i32
    %dma_wait3A_77 = arith.constant 0 : i32
    %dma_wait3A_78 = tpu.memref_slice %arg3[%dma_wait3A_76, %dma_wait3A_77] : memref<100000x32xf32, #tpu.memory_space<hbm>> -> memref<100000x32xf32, #tpu.memory_space<hbm>>
    tpu.wait_indirect_dma semaphore(%arg8 : memref<!tpu.dma_semaphore, #tpu.memory_space<semaphore_mem>>) src(%dma_wait3A_78 : memref<100000x32xf32, #tpu.memory_space<hbm>>) dst(%dma_wait3A_72 : memref<128x32xf32, #tpu.memory_space<vmem>>)
    %dma_wait3A_79 = arith.constant 3 : i32
    %dma_wait3A_80 = arith.constant 384 : i32
    %dma_wait3A_81 = arith.constant 0 : i32
    %dma_wait3A_82 = tpu.memref_slice %arg6[%dma_wait3A_80, %dma_wait3A_81] : memref<640x32xf32, #tpu.memory_space<vmem>> -> memref<128x32xf32, #tpu.memory_space<vmem>>
    %dma_wait3A_83 = arith.constant 0 : i32
    %dma_wait3A_84 = tpu.memref_slice %arg5[%dma_wait3A_79, %dma_wait3A_83] : memref<5x128xi32, #tpu.memory_space<vmem>> -> memref<1x128xi32, #tpu.memory_space<vmem>>
    %dma_wait3A_85 = tpu.memref_squeeze %dma_wait3A_84 : memref<1x128xi32, #tpu.memory_space<vmem>> -> memref<128xi32, #tpu.memory_space<vmem>>
    %dma_wait3A_86 = arith.constant 0 : i32
    %dma_wait3A_87 = arith.constant 0 : i32
    %dma_wait3A_88 = tpu.memref_slice %arg3[%dma_wait3A_86, %dma_wait3A_87] : memref<100000x32xf32, #tpu.memory_space<hbm>> -> memref<100000x32xf32, #tpu.memory_space<hbm>>
    tpu.wait_indirect_dma semaphore(%arg8 : memref<!tpu.dma_semaphore, #tpu.memory_space<semaphore_mem>>) src(%dma_wait3A_88 : memref<100000x32xf32, #tpu.memory_space<hbm>>) dst(%dma_wait3A_82 : memref<128x32xf32, #tpu.memory_space<vmem>>)
    %dma_wait3A_89 = arith.constant 4 : i32
    %dma_wait3A_90 = arith.constant 512 : i32
    %dma_wait3A_91 = arith.constant 0 : i32
    %dma_wait3A_92 = tpu.memref_slice %arg6[%dma_wait3A_90, %dma_wait3A_91] : memref<640x32xf32, #tpu.memory_space<vmem>> -> memref<128x32xf32, #tpu.memory_space<vmem>>
    %dma_wait3A_93 = arith.constant 0 : i32
    %dma_wait3A_94 = tpu.memref_slice %arg5[%dma_wait3A_89, %dma_wait3A_93] : memref<5x128xi32, #tpu.memory_space<vmem>> -> memref<1x128xi32, #tpu.memory_space<vmem>>
    %dma_wait3A_95 = tpu.memref_squeeze %dma_wait3A_94 : memref<1x128xi32, #tpu.memory_space<vmem>> -> memref<128xi32, #tpu.memory_space<vmem>>
    %dma_wait3A_96 = arith.constant 0 : i32
    %dma_wait3A_97 = arith.constant 0 : i32
    %dma_wait3A_98 = tpu.memref_slice %arg3[%dma_wait3A_96, %dma_wait3A_97] : memref<100000x32xf32, #tpu.memory_space<hbm>> -> memref<100000x32xf32, #tpu.memory_space<hbm>>
    tpu.wait_indirect_dma semaphore(%arg8 : memref<!tpu.dma_semaphore, #tpu.memory_space<semaphore_mem>>) src(%dma_wait3A_98 : memref<100000x32xf32, #tpu.memory_space<hbm>>) dst(%dma_wait3A_92 : memref<128x32xf32, #tpu.memory_space<vmem>>)
    %scan3A = arith.constant 0 : i32
    %scan3A_99 = arith.constant 0 : i32
    %scan3A_100 = arith.constant 32 : i32
    %scan3A_101 = arith.addi %scan3A_99, %scan3A_100 : i32
    %scan3A_102 = arith.constant 1 : i32
    scf.for %scan3A_106 = %scan3A_99 to %scan3A_101 step %scan3A_102  : i32 {
      %mul3A_107 = arith.constant 20 : i32
      %mul3A_108 = arith.muli %scan3A_106, %mul3A_107 : i32
      %broadcast_in_dim3A = arith.constant 0.000000e+00 : f32
      %broadcast_in_dim3A_109 = vector.broadcast %broadcast_in_dim3A : f32 to vector<16xf32>
      %broadcast_in_dim3A_110 = arith.constant 0.000000e+00 : f32
      %broadcast_in_dim3A_111 = vector.broadcast %broadcast_in_dim3A_110 : f32 to vector<16xf32>
      %add3A_112 = arith.constant 0 : i32
      %add3A_113 = arith.addi %mul3A_108, %add3A_112 : i32
      %get3A = arith.index_cast %add3A_113 : i32 to index
      %get3A_114 = arith.constant 0 : index
      %get3A_115 = tpu.vector_load %arg6[%get3A, %get3A_114] {strides = array<i32>} : memref<640x32xf32, #tpu.memory_space<vmem>>, vector<1x16xf32>,
      %get3A_116 = vector.shape_cast %get3A_115 : vector<1x16xf32> to vector<16xf32>
      %add3A_117 = arith.addf %broadcast_in_dim3A_109, %get3A_116 : vector<16xf32>
      %add3A_118 = arith.constant 0 : i32
      %add3A_119 = arith.addi %mul3A_108, %add3A_118 : i32
      %get3A_120 = arith.index_cast %add3A_119 : i32 to index
      %get3A_121 = arith.constant 16 : index
      %get3A_122 = tpu.vector_load %arg6[%get3A_120, %get3A_121] {strides = array<i32>} : memref<640x32xf32, #tpu.memory_space<vmem>>, vector<1x16xf32>,
      %get3A_123 = vector.shape_cast %get3A_122 : vector<1x16xf32> to vector<16xf32>
      %add3A_124 = arith.addf %broadcast_in_dim3A_111, %get3A_123 : vector<16xf32>
      %add3A_125 = arith.constant 1 : i32
      %add3A_126 = arith.addi %mul3A_108, %add3A_125 : i32
      %get3A_127 = arith.index_cast %add3A_126 : i32 to index
      %get3A_128 = arith.constant 0 : index
      %get3A_129 = tpu.vector_load %arg6[%get3A_127, %get3A_128] {strides = array<i32>} : memref<640x32xf32, #tpu.memory_space<vmem>>, vector<1x16xf32>,
      %get3A_130 = vector.shape_cast %get3A_129 : vector<1x16xf32> to vector<16xf32>
      %add3A_131 = arith.addf %add3A_117, %get3A_130 : vector<16xf32>
      %add3A_132 = arith.constant 1 : i32
      %add3A_133 = arith.addi %mul3A_108, %add3A_132 : i32
      %get3A_134 = arith.index_cast %add3A_133 : i32 to index
      %get3A_135 = arith.constant 16 : index
      %get3A_136 = tpu.vector_load %arg6[%get3A_134, %get3A_135] {strides = array<i32>} : memref<640x32xf32, #tpu.memory_space<vmem>>, vector<1x16xf32>,
      %get3A_137 = vector.shape_cast %get3A_136 : vector<1x16xf32> to vector<16xf32>
      %add3A_138 = arith.addf %add3A_124, %get3A_137 : vector<16xf32>
      %add3A_139 = arith.constant 2 : i32
      %add3A_140 = arith.addi %mul3A_108, %add3A_139 : i32
      %get3A_141 = arith.index_cast %add3A_140 : i32 to index
      %get3A_142 = arith.constant 0 : index
      %get3A_143 = tpu.vector_load %arg6[%get3A_141, %get3A_142] {strides = array<i32>} : memref<640x32xf32, #tpu.memory_space<vmem>>, vector<1x16xf32>,
      %get3A_144 = vector.shape_cast %get3A_143 : vector<1x16xf32> to vector<16xf32>
      %add3A_145 = arith.addf %add3A_131, %get3A_144 : vector<16xf32>
      %add3A_146 = arith.constant 2 : i32
      %add3A_147 = arith.addi %mul3A_108, %add3A_146 : i32
      %get3A_148 = arith.index_cast %add3A_147 : i32 to index
      %get3A_149 = arith.constant 16 : index
      %get3A_150 = tpu.vector_load %arg6[%get3A_148, %get3A_149] {strides = array<i32>} : memref<640x32xf32, #tpu.memory_space<vmem>>, vector<1x16xf32>,
      %get3A_151 = vector.shape_cast %get3A_150 : vector<1x16xf32> to vector<16xf32>
      %add3A_152 = arith.addf %add3A_138, %get3A_151 : vector<16xf32>
      %add3A_153 = arith.constant 3 : i32
      %add3A_154 = arith.addi %mul3A_108, %add3A_153 : i32
      %get3A_155 = arith.index_cast %add3A_154 : i32 to index
      %get3A_156 = arith.constant 0 : index
      %get3A_157 = tpu.vector_load %arg6[%get3A_155, %get3A_156] {strides = array<i32>} : memref<640x32xf32, #tpu.memory_space<vmem>>, vector<1x16xf32>,
      %get3A_158 = vector.shape_cast %get3A_157 : vector<1x16xf32> to vector<16xf32>
      %add3A_159 = arith.addf %add3A_145, %get3A_158 : vector<16xf32>
      %add3A_160 = arith.constant 3 : i32
      %add3A_161 = arith.addi %mul3A_108, %add3A_160 : i32
      %get3A_162 = arith.index_cast %add3A_161 : i32 to index
      %get3A_163 = arith.constant 16 : index
      %get3A_164 = tpu.vector_load %arg6[%get3A_162, %get3A_163] {strides = array<i32>} : memref<640x32xf32, #tpu.memory_space<vmem>>, vector<1x16xf32>,
      %get3A_165 = vector.shape_cast %get3A_164 : vector<1x16xf32> to vector<16xf32>
      %add3A_166 = arith.addf %add3A_152, %get3A_165 : vector<16xf32>
      %add3A_167 = arith.constant 4 : i32
      %add3A_168 = arith.addi %mul3A_108, %add3A_167 : i32
      %get3A_169 = arith.index_cast %add3A_168 : i32 to index
      %get3A_170 = arith.constant 0 : index
      %get3A_171 = tpu.vector_load %arg6[%get3A_169, %get3A_170] {strides = array<i32>} : memref<640x32xf32, #tpu.memory_space<vmem>>, vector<1x16xf32>,
      %get3A_172 = vector.shape_cast %get3A_171 : vector<1x16xf32> to vector<16xf32>
      %add3A_173 = arith.addf %add3A_159, %get3A_172 : vector<16xf32>
      %add3A_174 = arith.constant 4 : i32
      %add3A_175 = arith.addi %mul3A_108, %add3A_174 : i32
      %get3A_176 = arith.index_cast %add3A_175 : i32 to index
      %get3A_177 = arith.constant 16 : index
      %get3A_178 = tpu.vector_load %arg6[%get3A_176, %get3A_177] {strides = array<i32>} : memref<640x32xf32, #tpu.memory_space<vmem>>, vector<1x16xf32>,
      %get3A_179 = vector.shape_cast %get3A_178 : vector<1x16xf32> to vector<16xf32>
      %add3A_180 = arith.addf %add3A_166, %get3A_179 : vector<16xf32>
      %add3A_181 = arith.constant 5 : i32
      %add3A_182 = arith.addi %mul3A_108, %add3A_181 : i32
      %get3A_183 = arith.index_cast %add3A_182 : i32 to index
      %get3A_184 = arith.constant 0 : index
      %get3A_185 = tpu.vector_load %arg6[%get3A_183, %get3A_184] {strides = array<i32>} : memref<640x32xf32, #tpu.memory_space<vmem>>, vector<1x16xf32>,
      %get3A_186 = vector.shape_cast %get3A_185 : vector<1x16xf32> to vector<16xf32>
      %add3A_187 = arith.addf %add3A_173, %get3A_186 : vector<16xf32>
      %add3A_188 = arith.constant 5 : i32
      %add3A_189 = arith.addi %mul3A_108, %add3A_188 : i32
      %get3A_190 = arith.index_cast %add3A_189 : i32 to index
      %get3A_191 = arith.constant 16 : index
      %get3A_192 = tpu.vector_load %arg6[%get3A_190, %get3A_191] {strides = array<i32>} : memref<640x32xf32, #tpu.memory_space<vmem>>, vector<1x16xf32>,
      %get3A_193 = vector.shape_cast %get3A_192 : vector<1x16xf32> to vector<16xf32>
      %add3A_194 = arith.addf %add3A_180, %get3A_193 : vector<16xf32>
      %add3A_195 = arith.constant 6 : i32
      %add3A_196 = arith.addi %mul3A_108, %add3A_195 : i32
      %get3A_197 = arith.index_cast %add3A_196 : i32 to index
      %get3A_198 = arith.constant 0 : index
      %get3A_199 = tpu.vector_load %arg6[%get3A_197, %get3A_198] {strides = array<i32>} : memref<640x32xf32, #tpu.memory_space<vmem>>, vector<1x16xf32>,
      %get3A_200 = vector.shape_cast %get3A_199 : vector<1x16xf32> to vector<16xf32>
      %add3A_201 = arith.addf %add3A_187, %get3A_200 : vector<16xf32>
      %add3A_202 = arith.constant 6 : i32
      %add3A_203 = arith.addi %mul3A_108, %add3A_202 : i32
      %get3A_204 = arith.index_cast %add3A_203 : i32 to index
      %get3A_205 = arith.constant 16 : index
      %get3A_206 = tpu.vector_load %arg6[%get3A_204, %get3A_205] {strides = array<i32>} : memref<640x32xf32, #tpu.memory_space<vmem>>, vector<1x16xf32>,
      %get3A_207 = vector.shape_cast %get3A_206 : vector<1x16xf32> to vector<16xf32>
      %add3A_208 = arith.addf %add3A_194, %get3A_207 : vector<16xf32>
      %add3A_209 = arith.constant 7 : i32
      %add3A_210 = arith.addi %mul3A_108, %add3A_209 : i32
      %get3A_211 = arith.index_cast %add3A_210 : i32 to index
      %get3A_212 = arith.constant 0 : index
      %get3A_213 = tpu.vector_load %arg6[%get3A_211, %get3A_212] {strides = array<i32>} : memref<640x32xf32, #tpu.memory_space<vmem>>, vector<1x16xf32>,
      %get3A_214 = vector.shape_cast %get3A_213 : vector<1x16xf32> to vector<16xf32>
      %add3A_215 = arith.addf %add3A_201, %get3A_214 : vector<16xf32>
      %add3A_216 = arith.constant 7 : i32
      %add3A_217 = arith.addi %mul3A_108, %add3A_216 : i32
      %get3A_218 = arith.index_cast %add3A_217 : i32 to index
      %get3A_219 = arith.constant 16 : index
      %get3A_220 = tpu.vector_load %arg6[%get3A_218, %get3A_219] {strides = array<i32>} : memref<640x32xf32, #tpu.memory_space<vmem>>, vector<1x16xf32>,
      %get3A_221 = vector.shape_cast %get3A_220 : vector<1x16xf32> to vector<16xf32>
      %add3A_222 = arith.addf %add3A_208, %get3A_221 : vector<16xf32>
      %add3A_223 = arith.constant 8 : i32
      %add3A_224 = arith.addi %mul3A_108, %add3A_223 : i32
      %get3A_225 = arith.index_cast %add3A_224 : i32 to index
      %get3A_226 = arith.constant 0 : index
      %get3A_227 = tpu.vector_load %arg6[%get3A_225, %get3A_226] {strides = array<i32>} : memref<640x32xf32, #tpu.memory_space<vmem>>, vector<1x16xf32>,
      %get3A_228 = vector.shape_cast %get3A_227 : vector<1x16xf32> to vector<16xf32>
      %add3A_229 = arith.addf %add3A_215, %get3A_228 : vector<16xf32>
      %add3A_230 = arith.constant 8 : i32
      %add3A_231 = arith.addi %mul3A_108, %add3A_230 : i32
      %get3A_232 = arith.index_cast %add3A_231 : i32 to index
      %get3A_233 = arith.constant 16 : index
      %get3A_234 = tpu.vector_load %arg6[%get3A_232, %get3A_233] {strides = array<i32>} : memref<640x32xf32, #tpu.memory_space<vmem>>, vector<1x16xf32>,
      %get3A_235 = vector.shape_cast %get3A_234 : vector<1x16xf32> to vector<16xf32>
      %add3A_236 = arith.addf %add3A_222, %get3A_235 : vector<16xf32>
      %add3A_237 = arith.constant 9 : i32
      %add3A_238 = arith.addi %mul3A_108, %add3A_237 : i32
      %get3A_239 = arith.index_cast %add3A_238 : i32 to index
      %get3A_240 = arith.constant 0 : index
      %get3A_241 = tpu.vector_load %arg6[%get3A_239, %get3A_240] {strides = array<i32>} : memref<640x32xf32, #tpu.memory_space<vmem>>, vector<1x16xf32>,
      %get3A_242 = vector.shape_cast %get3A_241 : vector<1x16xf32> to vector<16xf32>
      %add3A_243 = arith.addf %add3A_229, %get3A_242 : vector<16xf32>
      %add3A_244 = arith.constant 9 : i32
      %add3A_245 = arith.addi %mul3A_108, %add3A_244 : i32
      %get3A_246 = arith.index_cast %add3A_245 : i32 to index
      %get3A_247 = arith.constant 16 : index
      %get3A_248 = tpu.vector_load %arg6[%get3A_246, %get3A_247] {strides = array<i32>} : memref<640x32xf32, #tpu.memory_space<vmem>>, vector<1x16xf32>,
      %get3A_249 = vector.shape_cast %get3A_248 : vector<1x16xf32> to vector<16xf32>
      %add3A_250 = arith.addf %add3A_236, %get3A_249 : vector<16xf32>
      %add3A_251 = arith.constant 10 : i32
      %add3A_252 = arith.addi %mul3A_108, %add3A_251 : i32
      %get3A_253 = arith.index_cast %add3A_252 : i32 to index
      %get3A_254 = arith.constant 0 : index
      %get3A_255 = tpu.vector_load %arg6[%get3A_253, %get3A_254] {strides = array<i32>} : memref<640x32xf32, #tpu.memory_space<vmem>>, vector<1x16xf32>,
      %get3A_256 = vector.shape_cast %get3A_255 : vector<1x16xf32> to vector<16xf32>
      %add3A_257 = arith.addf %add3A_243, %get3A_256 : vector<16xf32>
      %add3A_258 = arith.constant 10 : i32
      %add3A_259 = arith.addi %mul3A_108, %add3A_258 : i32
      %get3A_260 = arith.index_cast %add3A_259 : i32 to index
      %get3A_261 = arith.constant 16 : index
      %get3A_262 = tpu.vector_load %arg6[%get3A_260, %get3A_261] {strides = array<i32>} : memref<640x32xf32, #tpu.memory_space<vmem>>, vector<1x16xf32>,
      %get3A_263 = vector.shape_cast %get3A_262 : vector<1x16xf32> to vector<16xf32>
      %add3A_264 = arith.addf %add3A_250, %get3A_263 : vector<16xf32>
      %add3A_265 = arith.constant 11 : i32
      %add3A_266 = arith.addi %mul3A_108, %add3A_265 : i32
      %get3A_267 = arith.index_cast %add3A_266 : i32 to index
      %get3A_268 = arith.constant 0 : index
      %get3A_269 = tpu.vector_load %arg6[%get3A_267, %get3A_268] {strides = array<i32>} : memref<640x32xf32, #tpu.memory_space<vmem>>, vector<1x16xf32>,
      %get3A_270 = vector.shape_cast %get3A_269 : vector<1x16xf32> to vector<16xf32>
      %add3A_271 = arith.addf %add3A_257, %get3A_270 : vector<16xf32>
      %add3A_272 = arith.constant 11 : i32
      %add3A_273 = arith.addi %mul3A_108, %add3A_272 : i32
      %get3A_274 = arith.index_cast %add3A_273 : i32 to index
      %get3A_275 = arith.constant 16 : index
      %get3A_276 = tpu.vector_load %arg6[%get3A_274, %get3A_275] {strides = array<i32>} : memref<640x32xf32, #tpu.memory_space<vmem>>, vector<1x16xf32>,
      %get3A_277 = vector.shape_cast %get3A_276 : vector<1x16xf32> to vector<16xf32>
      %add3A_278 = arith.addf %add3A_264, %get3A_277 : vector<16xf32>
      %add3A_279 = arith.constant 12 : i32
      %add3A_280 = arith.addi %mul3A_108, %add3A_279 : i32
      %get3A_281 = arith.index_cast %add3A_280 : i32 to index
      %get3A_282 = arith.constant 0 : index
      %get3A_283 = tpu.vector_load %arg6[%get3A_281, %get3A_282] {strides = array<i32>} : memref<640x32xf32, #tpu.memory_space<vmem>>, vector<1x16xf32>,
      %get3A_284 = vector.shape_cast %get3A_283 : vector<1x16xf32> to vector<16xf32>
      %add3A_285 = arith.addf %add3A_271, %get3A_284 : vector<16xf32>
      %add3A_286 = arith.constant 12 : i32
      %add3A_287 = arith.addi %mul3A_108, %add3A_286 : i32
      %get3A_288 = arith.index_cast %add3A_287 : i32 to index
      %get3A_289 = arith.constant 16 : index
      %get3A_290 = tpu.vector_load %arg6[%get3A_288, %get3A_289] {strides = array<i32>} : memref<640x32xf32, #tpu.memory_space<vmem>>, vector<1x16xf32>,
      %get3A_291 = vector.shape_cast %get3A_290 : vector<1x16xf32> to vector<16xf32>
      %add3A_292 = arith.addf %add3A_278, %get3A_291 : vector<16xf32>
      %add3A_293 = arith.constant 13 : i32
      %add3A_294 = arith.addi %mul3A_108, %add3A_293 : i32
      %get3A_295 = arith.index_cast %add3A_294 : i32 to index
      %get3A_296 = arith.constant 0 : index
      %get3A_297 = tpu.vector_load %arg6[%get3A_295, %get3A_296] {strides = array<i32>} : memref<640x32xf32, #tpu.memory_space<vmem>>, vector<1x16xf32>,
      %get3A_298 = vector.shape_cast %get3A_297 : vector<1x16xf32> to vector<16xf32>
      %add3A_299 = arith.addf %add3A_285, %get3A_298 : vector<16xf32>
      %add3A_300 = arith.constant 13 : i32
      %add3A_301 = arith.addi %mul3A_108, %add3A_300 : i32
      %get3A_302 = arith.index_cast %add3A_301 : i32 to index
      %get3A_303 = arith.constant 16 : index
      %get3A_304 = tpu.vector_load %arg6[%get3A_302, %get3A_303] {strides = array<i32>} : memref<640x32xf32, #tpu.memory_space<vmem>>, vector<1x16xf32>,
      %get3A_305 = vector.shape_cast %get3A_304 : vector<1x16xf32> to vector<16xf32>
      %add3A_306 = arith.addf %add3A_292, %get3A_305 : vector<16xf32>
      %add3A_307 = arith.constant 14 : i32
      %add3A_308 = arith.addi %mul3A_108, %add3A_307 : i32
      %get3A_309 = arith.index_cast %add3A_308 : i32 to index
      %get3A_310 = arith.constant 0 : index
      %get3A_311 = tpu.vector_load %arg6[%get3A_309, %get3A_310] {strides = array<i32>} : memref<640x32xf32, #tpu.memory_space<vmem>>, vector<1x16xf32>,
      %get3A_312 = vector.shape_cast %get3A_311 : vector<1x16xf32> to vector<16xf32>
      %add3A_313 = arith.addf %add3A_299, %get3A_312 : vector<16xf32>
      %add3A_314 = arith.constant 14 : i32
      %add3A_315 = arith.addi %mul3A_108, %add3A_314 : i32
      %get3A_316 = arith.index_cast %add3A_315 : i32 to index
      %get3A_317 = arith.constant 16 : index
      %get3A_318 = tpu.vector_load %arg6[%get3A_316, %get3A_317] {strides = array<i32>} : memref<640x32xf32, #tpu.memory_space<vmem>>, vector<1x16xf32>,
      %get3A_319 = vector.shape_cast %get3A_318 : vector<1x16xf32> to vector<16xf32>
      %add3A_320 = arith.addf %add3A_306, %get3A_319 : vector<16xf32>
      %add3A_321 = arith.constant 15 : i32
      %add3A_322 = arith.addi %mul3A_108, %add3A_321 : i32
      %get3A_323 = arith.index_cast %add3A_322 : i32 to index
      %get3A_324 = arith.constant 0 : index
      %get3A_325 = tpu.vector_load %arg6[%get3A_323, %get3A_324] {strides = array<i32>} : memref<640x32xf32, #tpu.memory_space<vmem>>, vector<1x16xf32>,
      %get3A_326 = vector.shape_cast %get3A_325 : vector<1x16xf32> to vector<16xf32>
      %add3A_327 = arith.addf %add3A_313, %get3A_326 : vector<16xf32>
      %add3A_328 = arith.constant 15 : i32
      %add3A_329 = arith.addi %mul3A_108, %add3A_328 : i32
      %get3A_330 = arith.index_cast %add3A_329 : i32 to index
      %get3A_331 = arith.constant 16 : index
      %get3A_332 = tpu.vector_load %arg6[%get3A_330, %get3A_331] {strides = array<i32>} : memref<640x32xf32, #tpu.memory_space<vmem>>, vector<1x16xf32>,
      %get3A_333 = vector.shape_cast %get3A_332 : vector<1x16xf32> to vector<16xf32>
      %add3A_334 = arith.addf %add3A_320, %get3A_333 : vector<16xf32>
      %add3A_335 = arith.constant 16 : i32
      %add3A_336 = arith.addi %mul3A_108, %add3A_335 : i32
      %get3A_337 = arith.index_cast %add3A_336 : i32 to index
      %get3A_338 = arith.constant 0 : index
      %get3A_339 = tpu.vector_load %arg6[%get3A_337, %get3A_338] {strides = array<i32>} : memref<640x32xf32, #tpu.memory_space<vmem>>, vector<1x16xf32>,
      %get3A_340 = vector.shape_cast %get3A_339 : vector<1x16xf32> to vector<16xf32>
      %add3A_341 = arith.addf %add3A_327, %get3A_340 : vector<16xf32>
      %add3A_342 = arith.constant 16 : i32
      %add3A_343 = arith.addi %mul3A_108, %add3A_342 : i32
      %get3A_344 = arith.index_cast %add3A_343 : i32 to index
      %get3A_345 = arith.constant 16 : index
      %get3A_346 = tpu.vector_load %arg6[%get3A_344, %get3A_345] {strides = array<i32>} : memref<640x32xf32, #tpu.memory_space<vmem>>, vector<1x16xf32>,
      %get3A_347 = vector.shape_cast %get3A_346 : vector<1x16xf32> to vector<16xf32>
      %add3A_348 = arith.addf %add3A_334, %get3A_347 : vector<16xf32>
      %add3A_349 = arith.constant 17 : i32
      %add3A_350 = arith.addi %mul3A_108, %add3A_349 : i32
      %get3A_351 = arith.index_cast %add3A_350 : i32 to index
      %get3A_352 = arith.constant 0 : index
      %get3A_353 = tpu.vector_load %arg6[%get3A_351, %get3A_352] {strides = array<i32>} : memref<640x32xf32, #tpu.memory_space<vmem>>, vector<1x16xf32>,
      %get3A_354 = vector.shape_cast %get3A_353 : vector<1x16xf32> to vector<16xf32>
      %add3A_355 = arith.addf %add3A_341, %get3A_354 : vector<16xf32>
      %add3A_356 = arith.constant 17 : i32
      %add3A_357 = arith.addi %mul3A_108, %add3A_356 : i32
      %get3A_358 = arith.index_cast %add3A_357 : i32 to index
      %get3A_359 = arith.constant 16 : index
      %get3A_360 = tpu.vector_load %arg6[%get3A_358, %get3A_359] {strides = array<i32>} : memref<640x32xf32, #tpu.memory_space<vmem>>, vector<1x16xf32>,
      %get3A_361 = vector.shape_cast %get3A_360 : vector<1x16xf32> to vector<16xf32>
      %add3A_362 = arith.addf %add3A_348, %get3A_361 : vector<16xf32>
      %add3A_363 = arith.constant 18 : i32
      %add3A_364 = arith.addi %mul3A_108, %add3A_363 : i32
      %get3A_365 = arith.index_cast %add3A_364 : i32 to index
      %get3A_366 = arith.constant 0 : index
      %get3A_367 = tpu.vector_load %arg6[%get3A_365, %get3A_366] {strides = array<i32>} : memref<640x32xf32, #tpu.memory_space<vmem>>, vector<1x16xf32>,
      %get3A_368 = vector.shape_cast %get3A_367 : vector<1x16xf32> to vector<16xf32>
      %add3A_369 = arith.addf %add3A_355, %get3A_368 : vector<16xf32>
      %add3A_370 = arith.constant 18 : i32
      %add3A_371 = arith.addi %mul3A_108, %add3A_370 : i32
      %get3A_372 = arith.index_cast %add3A_371 : i32 to index
      %get3A_373 = arith.constant 16 : index
      %get3A_374 = tpu.vector_load %arg6[%get3A_372, %get3A_373] {strides = array<i32>} : memref<640x32xf32, #tpu.memory_space<vmem>>, vector<1x16xf32>,
      %get3A_375 = vector.shape_cast %get3A_374 : vector<1x16xf32> to vector<16xf32>
      %add3A_376 = arith.addf %add3A_362, %get3A_375 : vector<16xf32>
      %add3A_377 = arith.constant 19 : i32
      %add3A_378 = arith.addi %mul3A_108, %add3A_377 : i32
      %get3A_379 = arith.index_cast %add3A_378 : i32 to index
      %get3A_380 = arith.constant 0 : index
      %get3A_381 = tpu.vector_load %arg6[%get3A_379, %get3A_380] {strides = array<i32>} : memref<640x32xf32, #tpu.memory_space<vmem>>, vector<1x16xf32>,
      %get3A_382 = vector.shape_cast %get3A_381 : vector<1x16xf32> to vector<16xf32>
      %add3A_383 = arith.addf %add3A_369, %get3A_382 : vector<16xf32>
      %add3A_384 = arith.constant 19 : i32
      %add3A_385 = arith.addi %mul3A_108, %add3A_384 : i32
      %get3A_386 = arith.index_cast %add3A_385 : i32 to index
      %get3A_387 = arith.constant 16 : index
      %get3A_388 = tpu.vector_load %arg6[%get3A_386, %get3A_387] {strides = array<i32>} : memref<640x32xf32, #tpu.memory_space<vmem>>, vector<1x16xf32>,
      %get3A_389 = vector.shape_cast %get3A_388 : vector<1x16xf32> to vector<16xf32>
      %add3A_390 = arith.addf %add3A_376, %get3A_389 : vector<16xf32>
      %mul3A_391 = arith.constant 5.000000e-02 : f32
      %mul3A_392 = vector.broadcast %mul3A_391 : f32 to vector<16xf32>
      %mul3A_393 = arith.mulf %add3A_383, %mul3A_392 : vector<16xf32>
      %swap3A = arith.index_cast %scan3A_106 : i32 to index
      %swap3A_394 = arith.constant 0 : index
      %swap3A_395 = tpu.vector_load %arg7[%swap3A, %swap3A_394] {strides = array<i32>} : memref<32x32xf32, #tpu.memory_space<vmem>>, vector<1x16xf32>,
      %swap3A_396 = vector.shape_cast %swap3A_395 : vector<1x16xf32> to vector<16xf32>
      %swap3A_397 = vector.shape_cast %mul3A_393 : vector<16xf32> to vector<1x16xf32>
      tpu.vector_store %arg7[%swap3A, %swap3A_394], %swap3A_397 {strides = array<i32>} : memref<32x32xf32, #tpu.memory_space<vmem>>, vector<1x16xf32>,
      %mul3A_398 = arith.constant 5.000000e-02 : f32
      %mul3A_399 = vector.broadcast %mul3A_398 : f32 to vector<16xf32>
      %mul3A_400 = arith.mulf %add3A_390, %mul3A_399 : vector<16xf32>
      %swap3A_401 = arith.index_cast %scan3A_106 : i32 to index
      %swap3A_402 = arith.constant 16 : index
      %swap3A_403 = tpu.vector_load %arg7[%swap3A_401, %swap3A_402] {strides = array<i32>} : memref<32x32xf32, #tpu.memory_space<vmem>>, vector<1x16xf32>,
      %swap3A_404 = vector.shape_cast %swap3A_403 : vector<1x16xf32> to vector<16xf32>
      %swap3A_405 = vector.shape_cast %mul3A_400 : vector<16xf32> to vector<1x16xf32>
      tpu.vector_store %arg7[%swap3A_401, %swap3A_402], %swap3A_405 {strides = array<i32>} : memref<32x32xf32, #tpu.memory_space<vmem>>, vector<1x16xf32>,
    }
    %scan3A_103 = arith.constant 32 : i32
    %mul3A_104 = arith.constant 32 : i32
    %mul3A_105 = arith.muli %add3A, %mul3A_104 : i32
    "tpu.region"() ({
      %run_scoped3A = tpu.sem_alloc : memref<!tpu.dma_semaphore, #tpu.memory_space<semaphore_mem>>
      %dma_start3A_106 = arith.constant 0 : i32
      %dma_start3A_107 = tpu.memref_slice %arg4[%mul3A_105, %dma_start3A_106] : memref<1024x32xf32, #tpu.memory_space<hbm>> -> memref<32x32xf32, #tpu.memory_space<hbm>>
      %dma_start3A_108 = arith.constant 0 : i32
      %dma_start3A_109 = tpu.memref_slice %arg4[%mul3A_105, %dma_start3A_108] : memref<1024x32xf32, #tpu.memory_space<hbm>> -> memref<32x32xf32, #tpu.memory_space<hbm>>
      tpu.enqueue_dma source(%arg7 : memref<32x32xf32, #tpu.memory_space<vmem>>) target(%dma_start3A_109 : memref<32x32xf32, #tpu.memory_space<hbm>>) target_semaphore(%run_scoped3A : memref<!tpu.dma_semaphore, #tpu.memory_space<semaphore_mem>>)
      %dma_wait3A_110 = arith.constant 0 : i32
      %dma_wait3A_111 = tpu.memref_slice %arg4[%mul3A_105, %dma_wait3A_110] : memref<1024x32xf32, #tpu.memory_space<hbm>> -> memref<32x32xf32, #tpu.memory_space<hbm>>
      %dma_wait3A_112 = arith.constant 0 : i32
      %dma_wait3A_113 = tpu.memref_slice %arg4[%mul3A_105, %dma_wait3A_112] : memref<1024x32xf32, #tpu.memory_space<hbm>> -> memref<32x32xf32, #tpu.memory_space<hbm>>
      tpu.wait_dma2 semaphore(%run_scoped3A : memref<!tpu.dma_semaphore, #tpu.memory_space<semaphore_mem>>) src(%arg7 : memref<32x32xf32, #tpu.memory_space<vmem>>) dst(%dma_wait3A_113 : memref<32x32xf32, #tpu.memory_space<hbm>>)
      tpu.yield
    }) : () -> ()
    return
  }
}

module attributes {stable_mosaic.version = 14 : i64} {
  func.func @_proj_body(%arg0: i32, %arg1: i32, %arg2: memref<256x32xf32, #tpu.memory_space<vmem>>, %arg3: memref<32x12800xf32, #tpu.memory_space<vmem>>, %arg4: memref<1x12800xf32, #tpu.memory_space<vmem>>, %arg5: memref<1024x100000xf32, #tpu.memory_space<any>>, %arg6: memref<3x256x12800xf32, #tpu.memory_space<vmem>>, %arg7: memref<256x10400xf32, #tpu.memory_space<vmem>>, %arg8: memref<3x!tpu.dma_semaphore, #tpu.memory_space<semaphore_mem>>, %arg9: memref<!tpu.dma_semaphore, #tpu.memory_space<semaphore_mem>>) attributes {dimension_semantics = [#tpu.dimension_semantics<arbitrary>, #tpu.dimension_semantics<arbitrary>], iteration_bounds = array<i64: 4, 8>, scalar_prefetch = 0 : i64, scratch_operands = 4 : i64, tpu.core_type = #tpu.core_type<tc>, window_params = [{transform_indices = @transform_0, window_bounds = array<i64: 256, 32>}, {transform_indices = @transform_1, window_bounds = array<i64: 32, 12800>}, {transform_indices = @transform_2, window_bounds = array<i64: 1, 12800>}, {}]} {
    %mul3A = arith.constant 8 : i32
    %mul3A_0 = arith.muli %arg0, %mul3A : i32
    %add3A = arith.addi %mul3A_0, %arg1 : i32
    %rem3A = arith.constant 3 : i32
    %rem3A_1 = arith.remsi %add3A, %rem3A : i32
    %get3A = arith.constant 0 : index
    %get3A_2 = arith.constant 0 : index
    %get3A_3 = vector.load %arg2[%get3A, %get3A_2] : memref<256x32xf32, #tpu.memory_space<vmem>>, vector<256x32xf32>
    %get3A_4 = arith.constant 0 : index
    %get3A_5 = arith.constant 0 : index
    %get3A_6 = vector.load %arg3[%get3A_4, %get3A_5] : memref<32x12800xf32, #tpu.memory_space<vmem>>, vector<32x12800xf32>
    %dot_general3A = arith.constant dense<0.000000e+00> : vector<256x12800xf32>
    %dot_general3A_7 = tpu.matmul %get3A_3, %get3A_6, %dot_general3A {dimension_numbers = #tpu.dot_dimension_numbers<[1], [0], [0], [1], [0, 0, 1, 1], [], []>, transpose_lhs_hint = false} : vector<256x32xf32>, vector<32x12800xf32>, vector<256x12800xf32> -> vector<256x12800xf32>
    %get3A_8 = arith.constant 0 : index
    %get3A_9 = arith.constant 0 : index
    %get3A_10 = vector.load %arg4[%get3A_8, %get3A_9] : memref<1x12800xf32, #tpu.memory_space<vmem>>, vector<1x12800xf32>
    %add3A_11 = vector.broadcast %get3A_10 : vector<1x12800xf32> to vector<256x12800xf32>
    %add3A_12 = arith.addf %dot_general3A_7, %add3A_11 : vector<256x12800xf32>
    %lt3A = arith.constant 7 : i32
    %lt3A_13 = arith.cmpi slt, %arg1, %lt3A : i32
    %convert_element_type3A = arith.extui %lt3A_13 : i1 to i32
    %cond3A = arith.constant 0 : i32
    %cond3A_14 = arith.cmpi ne, %convert_element_type3A, %cond3A : i32
    scf.if %cond3A_14 {
      %ge3A = arith.constant 3 : i32
      %ge3A_19 = arith.cmpi sge, %add3A, %ge3A : i32
      %convert_element_type3A_20 = arith.extui %ge3A_19 : i1 to i32
      %cond3A_21 = arith.constant 0 : i32
      %cond3A_22 = arith.cmpi ne, %convert_element_type3A_20, %cond3A_21 : i32
      scf.if %cond3A_22 {
        %dma_wait3A = tpu.memref_slice %arg8[%rem3A_1] : memref<3x!tpu.dma_semaphore, #tpu.memory_space<semaphore_mem>> -> memref<1x!tpu.dma_semaphore, #tpu.memory_space<semaphore_mem>>
        %dma_wait3A_43 = tpu.memref_squeeze %dma_wait3A : memref<1x!tpu.dma_semaphore, #tpu.memory_space<semaphore_mem>> -> memref<!tpu.dma_semaphore, #tpu.memory_space<semaphore_mem>>
        %dma_wait3A_44 = arith.constant 0 : i32
        %dma_wait3A_45 = arith.constant 0 : i32
        %dma_wait3A_46 = tpu.memref_slice %arg5[%dma_wait3A_44, %dma_wait3A_45] : memref<1024x100000xf32, #tpu.memory_space<any>> -> memref<32x12800xf32, #tpu.memory_space<any>>
        %dma_wait3A_47 = arith.constant 0 : i32
        %dma_wait3A_48 = arith.constant 0 : i32
        %dma_wait3A_49 = tpu.memref_slice %arg6[%rem3A_1, %dma_wait3A_47, %dma_wait3A_48] : memref<3x256x12800xf32, #tpu.memory_space<vmem>> -> memref<1x32x12800xf32, #tpu.memory_space<vmem>>
        %dma_wait3A_50 = tpu.memref_squeeze %dma_wait3A_49 : memref<1x32x12800xf32, #tpu.memory_space<vmem>> -> memref<32x12800xf32, #tpu.memory_space<vmem>>
        tpu.wait_dma2 semaphore(%dma_wait3A_43 : memref<!tpu.dma_semaphore, #tpu.memory_space<semaphore_mem>>) src(%dma_wait3A_50 : memref<32x12800xf32, #tpu.memory_space<vmem>>) dst(%dma_wait3A_46 : memref<32x12800xf32, #tpu.memory_space<any>>)
        %dma_wait3A_51 = tpu.memref_slice %arg8[%rem3A_1] : memref<3x!tpu.dma_semaphore, #tpu.memory_space<semaphore_mem>> -> memref<1x!tpu.dma_semaphore, #tpu.memory_space<semaphore_mem>>
        %dma_wait3A_52 = tpu.memref_squeeze %dma_wait3A_51 : memref<1x!tpu.dma_semaphore, #tpu.memory_space<semaphore_mem>> -> memref<!tpu.dma_semaphore, #tpu.memory_space<semaphore_mem>>
        %dma_wait3A_53 = arith.constant 0 : i32
        %dma_wait3A_54 = arith.constant 0 : i32
        %dma_wait3A_55 = tpu.memref_slice %arg5[%dma_wait3A_53, %dma_wait3A_54] : memref<1024x100000xf32, #tpu.memory_space<any>> -> memref<32x12800xf32, #tpu.memory_space<any>>
        %dma_wait3A_56 = arith.constant 0 : i32
        %dma_wait3A_57 = arith.constant 0 : i32
        %dma_wait3A_58 = tpu.memref_slice %arg6[%rem3A_1, %dma_wait3A_56, %dma_wait3A_57] : memref<3x256x12800xf32, #tpu.memory_space<vmem>> -> memref<1x32x12800xf32, #tpu.memory_space<vmem>>
        %dma_wait3A_59 = tpu.memref_squeeze %dma_wait3A_58 : memref<1x32x12800xf32, #tpu.memory_space<vmem>> -> memref<32x12800xf32, #tpu.memory_space<vmem>>
        tpu.wait_dma2 semaphore(%dma_wait3A_52 : memref<!tpu.dma_semaphore, #tpu.memory_space<semaphore_mem>>) src(%dma_wait3A_59 : memref<32x12800xf32, #tpu.memory_space<vmem>>) dst(%dma_wait3A_55 : memref<32x12800xf32, #tpu.memory_space<any>>)
        %dma_wait3A_60 = tpu.memref_slice %arg8[%rem3A_1] : memref<3x!tpu.dma_semaphore, #tpu.memory_space<semaphore_mem>> -> memref<1x!tpu.dma_semaphore, #tpu.memory_space<semaphore_mem>>
        %dma_wait3A_61 = tpu.memref_squeeze %dma_wait3A_60 : memref<1x!tpu.dma_semaphore, #tpu.memory_space<semaphore_mem>> -> memref<!tpu.dma_semaphore, #tpu.memory_space<semaphore_mem>>
        %dma_wait3A_62 = arith.constant 0 : i32
        %dma_wait3A_63 = arith.constant 0 : i32
        %dma_wait3A_64 = tpu.memref_slice %arg5[%dma_wait3A_62, %dma_wait3A_63] : memref<1024x100000xf32, #tpu.memory_space<any>> -> memref<32x12800xf32, #tpu.memory_space<any>>
        %dma_wait3A_65 = arith.constant 0 : i32
        %dma_wait3A_66 = arith.constant 0 : i32
        %dma_wait3A_67 = tpu.memref_slice %arg6[%rem3A_1, %dma_wait3A_65, %dma_wait3A_66] : memref<3x256x12800xf32, #tpu.memory_space<vmem>> -> memref<1x32x12800xf32, #tpu.memory_space<vmem>>
        %dma_wait3A_68 = tpu.memref_squeeze %dma_wait3A_67 : memref<1x32x12800xf32, #tpu.memory_space<vmem>> -> memref<32x12800xf32, #tpu.memory_space<vmem>>
        tpu.wait_dma2 semaphore(%dma_wait3A_61 : memref<!tpu.dma_semaphore, #tpu.memory_space<semaphore_mem>>) src(%dma_wait3A_68 : memref<32x12800xf32, #tpu.memory_space<vmem>>) dst(%dma_wait3A_64 : memref<32x12800xf32, #tpu.memory_space<any>>)
        %dma_wait3A_69 = tpu.memref_slice %arg8[%rem3A_1] : memref<3x!tpu.dma_semaphore, #tpu.memory_space<semaphore_mem>> -> memref<1x!tpu.dma_semaphore, #tpu.memory_space<semaphore_mem>>
        %dma_wait3A_70 = tpu.memref_squeeze %dma_wait3A_69 : memref<1x!tpu.dma_semaphore, #tpu.memory_space<semaphore_mem>> -> memref<!tpu.dma_semaphore, #tpu.memory_space<semaphore_mem>>
        %dma_wait3A_71 = arith.constant 0 : i32
        %dma_wait3A_72 = arith.constant 0 : i32
        %dma_wait3A_73 = tpu.memref_slice %arg5[%dma_wait3A_71, %dma_wait3A_72] : memref<1024x100000xf32, #tpu.memory_space<any>> -> memref<32x12800xf32, #tpu.memory_space<any>>
        %dma_wait3A_74 = arith.constant 0 : i32
        %dma_wait3A_75 = arith.constant 0 : i32
        %dma_wait3A_76 = tpu.memref_slice %arg6[%rem3A_1, %dma_wait3A_74, %dma_wait3A_75] : memref<3x256x12800xf32, #tpu.memory_space<vmem>> -> memref<1x32x12800xf32, #tpu.memory_space<vmem>>
        %dma_wait3A_77 = tpu.memref_squeeze %dma_wait3A_76 : memref<1x32x12800xf32, #tpu.memory_space<vmem>> -> memref<32x12800xf32, #tpu.memory_space<vmem>>
        tpu.wait_dma2 semaphore(%dma_wait3A_70 : memref<!tpu.dma_semaphore, #tpu.memory_space<semaphore_mem>>) src(%dma_wait3A_77 : memref<32x12800xf32, #tpu.memory_space<vmem>>) dst(%dma_wait3A_73 : memref<32x12800xf32, #tpu.memory_space<any>>)
        %dma_wait3A_78 = tpu.memref_slice %arg8[%rem3A_1] : memref<3x!tpu.dma_semaphore, #tpu.memory_space<semaphore_mem>> -> memref<1x!tpu.dma_semaphore, #tpu.memory_space<semaphore_mem>>
        %dma_wait3A_79 = tpu.memref_squeeze %dma_wait3A_78 : memref<1x!tpu.dma_semaphore, #tpu.memory_space<semaphore_mem>> -> memref<!tpu.dma_semaphore, #tpu.memory_space<semaphore_mem>>
        %dma_wait3A_80 = arith.constant 0 : i32
        %dma_wait3A_81 = arith.constant 0 : i32
        %dma_wait3A_82 = tpu.memref_slice %arg5[%dma_wait3A_80, %dma_wait3A_81] : memref<1024x100000xf32, #tpu.memory_space<any>> -> memref<32x12800xf32, #tpu.memory_space<any>>
        %dma_wait3A_83 = arith.constant 0 : i32
        %dma_wait3A_84 = arith.constant 0 : i32
        %dma_wait3A_85 = tpu.memref_slice %arg6[%rem3A_1, %dma_wait3A_83, %dma_wait3A_84] : memref<3x256x12800xf32, #tpu.memory_space<vmem>> -> memref<1x32x12800xf32, #tpu.memory_space<vmem>>
        %dma_wait3A_86 = tpu.memref_squeeze %dma_wait3A_85 : memref<1x32x12800xf32, #tpu.memory_space<vmem>> -> memref<32x12800xf32, #tpu.memory_space<vmem>>
        tpu.wait_dma2 semaphore(%dma_wait3A_79 : memref<!tpu.dma_semaphore, #tpu.memory_space<semaphore_mem>>) src(%dma_wait3A_86 : memref<32x12800xf32, #tpu.memory_space<vmem>>) dst(%dma_wait3A_82 : memref<32x12800xf32, #tpu.memory_space<any>>)
        %dma_wait3A_87 = tpu.memref_slice %arg8[%rem3A_1] : memref<3x!tpu.dma_semaphore, #tpu.memory_space<semaphore_mem>> -> memref<1x!tpu.dma_semaphore, #tpu.memory_space<semaphore_mem>>
        %dma_wait3A_88 = tpu.memref_squeeze %dma_wait3A_87 : memref<1x!tpu.dma_semaphore, #tpu.memory_space<semaphore_mem>> -> memref<!tpu.dma_semaphore, #tpu.memory_space<semaphore_mem>>
        %dma_wait3A_89 = arith.constant 0 : i32
        %dma_wait3A_90 = arith.constant 0 : i32
        %dma_wait3A_91 = tpu.memref_slice %arg5[%dma_wait3A_89, %dma_wait3A_90] : memref<1024x100000xf32, #tpu.memory_space<any>> -> memref<32x12800xf32, #tpu.memory_space<any>>
        %dma_wait3A_92 = arith.constant 0 : i32
        %dma_wait3A_93 = arith.constant 0 : i32
        %dma_wait3A_94 = tpu.memref_slice %arg6[%rem3A_1, %dma_wait3A_92, %dma_wait3A_93] : memref<3x256x12800xf32, #tpu.memory_space<vmem>> -> memref<1x32x12800xf32, #tpu.memory_space<vmem>>
        %dma_wait3A_95 = tpu.memref_squeeze %dma_wait3A_94 : memref<1x32x12800xf32, #tpu.memory_space<vmem>> -> memref<32x12800xf32, #tpu.memory_space<vmem>>
        tpu.wait_dma2 semaphore(%dma_wait3A_88 : memref<!tpu.dma_semaphore, #tpu.memory_space<semaphore_mem>>) src(%dma_wait3A_95 : memref<32x12800xf32, #tpu.memory_space<vmem>>) dst(%dma_wait3A_91 : memref<32x12800xf32, #tpu.memory_space<any>>)
        %dma_wait3A_96 = tpu.memref_slice %arg8[%rem3A_1] : memref<3x!tpu.dma_semaphore, #tpu.memory_space<semaphore_mem>> -> memref<1x!tpu.dma_semaphore, #tpu.memory_space<semaphore_mem>>
        %dma_wait3A_97 = tpu.memref_squeeze %dma_wait3A_96 : memref<1x!tpu.dma_semaphore, #tpu.memory_space<semaphore_mem>> -> memref<!tpu.dma_semaphore, #tpu.memory_space<semaphore_mem>>
        %dma_wait3A_98 = arith.constant 0 : i32
        %dma_wait3A_99 = arith.constant 0 : i32
        %dma_wait3A_100 = tpu.memref_slice %arg5[%dma_wait3A_98, %dma_wait3A_99] : memref<1024x100000xf32, #tpu.memory_space<any>> -> memref<32x12800xf32, #tpu.memory_space<any>>
        %dma_wait3A_101 = arith.constant 0 : i32
        %dma_wait3A_102 = arith.constant 0 : i32
        %dma_wait3A_103 = tpu.memref_slice %arg6[%rem3A_1, %dma_wait3A_101, %dma_wait3A_102] : memref<3x256x12800xf32, #tpu.memory_space<vmem>> -> memref<1x32x12800xf32, #tpu.memory_space<vmem>>
        %dma_wait3A_104 = tpu.memref_squeeze %dma_wait3A_103 : memref<1x32x12800xf32, #tpu.memory_space<vmem>> -> memref<32x12800xf32, #tpu.memory_space<vmem>>
        tpu.wait_dma2 semaphore(%dma_wait3A_97 : memref<!tpu.dma_semaphore, #tpu.memory_space<semaphore_mem>>) src(%dma_wait3A_104 : memref<32x12800xf32, #tpu.memory_space<vmem>>) dst(%dma_wait3A_100 : memref<32x12800xf32, #tpu.memory_space<any>>)
        %dma_wait3A_105 = tpu.memref_slice %arg8[%rem3A_1] : memref<3x!tpu.dma_semaphore, #tpu.memory_space<semaphore_mem>> -> memref<1x!tpu.dma_semaphore, #tpu.memory_space<semaphore_mem>>
        %dma_wait3A_106 = tpu.memref_squeeze %dma_wait3A_105 : memref<1x!tpu.dma_semaphore, #tpu.memory_space<semaphore_mem>> -> memref<!tpu.dma_semaphore, #tpu.memory_space<semaphore_mem>>
        %dma_wait3A_107 = arith.constant 0 : i32
        %dma_wait3A_108 = arith.constant 0 : i32
        %dma_wait3A_109 = tpu.memref_slice %arg5[%dma_wait3A_107, %dma_wait3A_108] : memref<1024x100000xf32, #tpu.memory_space<any>> -> memref<32x12800xf32, #tpu.memory_space<any>>
        %dma_wait3A_110 = arith.constant 0 : i32
        %dma_wait3A_111 = arith.constant 0 : i32
        %dma_wait3A_112 = tpu.memref_slice %arg6[%rem3A_1, %dma_wait3A_110, %dma_wait3A_111] : memref<3x256x12800xf32, #tpu.memory_space<vmem>> -> memref<1x32x12800xf32, #tpu.memory_space<vmem>>
        %dma_wait3A_113 = tpu.memref_squeeze %dma_wait3A_112 : memref<1x32x12800xf32, #tpu.memory_space<vmem>> -> memref<32x12800xf32, #tpu.memory_space<vmem>>
        tpu.wait_dma2 semaphore(%dma_wait3A_106 : memref<!tpu.dma_semaphore, #tpu.memory_space<semaphore_mem>>) src(%dma_wait3A_113 : memref<32x12800xf32, #tpu.memory_space<vmem>>) dst(%dma_wait3A_109 : memref<32x12800xf32, #tpu.memory_space<any>>)
      } else {
      }
      %swap3A = arith.index_cast %rem3A_1 : i32 to index
      %swap3A_23 = arith.constant 0 : index
      %swap3A_24 = arith.constant 0 : index
      %swap3A_25 = vector.load %arg6[%swap3A, %swap3A_23, %swap3A_24] : memref<3x256x12800xf32, #tpu.memory_space<vmem>>, vector<1x256x12800xf32>
      %swap3A_26 = vector.shape_cast %swap3A_25 : vector<1x256x12800xf32> to vector<256x12800xf32>
      %swap3A_27 = vector.shape_cast %add3A_12 : vector<256x12800xf32> to vector<1x256x12800xf32>
      tpu.vector_store %arg6[%swap3A, %swap3A_23, %swap3A_24], %swap3A_27 {strides = array<i32>} : memref<3x256x12800xf32, #tpu.memory_space<vmem>>, vector<1x256x12800xf32>,
      %eq3A_28 = arith.constant 0 : i32
      %eq3A_29 = arith.cmpi eq, %rem3A_1, %eq3A_28 : i32
      %convert_element_type3A_30 = arith.extui %eq3A_29 : i1 to i32
      %cond3A_31 = arith.constant 0 : i32
      %cond3A_32 = arith.cmpi ne, %convert_element_type3A_30, %cond3A_31 : i32
      scf.if %cond3A_32 {
        %mul3A_43 = arith.constant 256 : i32
        %mul3A_44 = arith.muli %arg0, %mul3A_43 : i32
        %add3A_45 = arith.constant 0 : i32
        %add3A_46 = arith.addi %mul3A_44, %add3A_45 : i32
        %mul3A_47 = arith.constant 12800 : i32
        %mul3A_48 = arith.muli %arg1, %mul3A_47 : i32
        %dma_start3A = arith.constant 0 : i32
        %dma_start3A_49 = arith.constant 0 : i32
        %dma_start3A_50 = tpu.memref_slice %arg8[%dma_start3A_49] : memref<3x!tpu.dma_semaphore, #tpu.memory_space<semaphore_mem>> -> memref<1x!tpu.dma_semaphore, #tpu.memory_space<semaphore_mem>>
        %dma_start3A_51 = tpu.memref_squeeze %dma_start3A_50 : memref<1x!tpu.dma_semaphore, #tpu.memory_space<semaphore_mem>> -> memref<!tpu.dma_semaphore, #tpu.memory_space<semaphore_mem>>
        %dma_start3A_52 = tpu.memref_slice %arg5[%add3A_46, %mul3A_48] : memref<1024x100000xf32, #tpu.memory_space<any>> -> memref<32x12800xf32, #tpu.memory_space<any>>
        %dma_start3A_53 = arith.constant 0 : i32
        %dma_start3A_54 = arith.constant 0 : i32
        %dma_start3A_55 = tpu.memref_slice %arg6[%dma_start3A, %dma_start3A_53, %dma_start3A_54] : memref<3x256x12800xf32, #tpu.memory_space<vmem>> -> memref<1x32x12800xf32, #tpu.memory_space<vmem>>
        %dma_start3A_56 = tpu.memref_squeeze %dma_start3A_55 : memref<1x32x12800xf32, #tpu.memory_space<vmem>> -> memref<32x12800xf32, #tpu.memory_space<vmem>>
        tpu.enqueue_dma source(%dma_start3A_56 : memref<32x12800xf32, #tpu.memory_space<vmem>>) target(%dma_start3A_52 : memref<32x12800xf32, #tpu.memory_space<any>>) target_semaphore(%dma_start3A_51 : memref<!tpu.dma_semaphore, #tpu.memory_space<semaphore_mem>>)
        %mul3A_57 = arith.constant 256 : i32
        %mul3A_58 = arith.muli %arg0, %mul3A_57 : i32
        %add3A_59 = arith.constant 32 : i32
        %add3A_60 = arith.addi %mul3A_58, %add3A_59 : i32
        %mul3A_61 = arith.constant 12800 : i32
        %mul3A_62 = arith.muli %arg1, %mul3A_61 : i32
        %dma_start3A_63 = arith.constant 0 : i32
        %dma_start3A_64 = arith.constant 0 : i32
        %dma_start3A_65 = tpu.memref_slice %arg8[%dma_start3A_64] : memref<3x!tpu.dma_semaphore, #tpu.memory_space<semaphore_mem>> -> memref<1x!tpu.dma_semaphore, #tpu.memory_space<semaphore_mem>>
        %dma_start3A_66 = tpu.memref_squeeze %dma_start3A_65 : memref<1x!tpu.dma_semaphore, #tpu.memory_space<semaphore_mem>> -> memref<!tpu.dma_semaphore, #tpu.memory_space<semaphore_mem>>
        %dma_start3A_67 = tpu.memref_slice %arg5[%add3A_60, %mul3A_62] : memref<1024x100000xf32, #tpu.memory_space<any>> -> memref<32x12800xf32, #tpu.memory_space<any>>
        %dma_start3A_68 = arith.constant 32 : i32
        %dma_start3A_69 = arith.constant 0 : i32
        %dma_start3A_70 = tpu.memref_slice %arg6[%dma_start3A_63, %dma_start3A_68, %dma_start3A_69] : memref<3x256x12800xf32, #tpu.memory_space<vmem>> -> memref<1x32x12800xf32, #tpu.memory_space<vmem>>
        %dma_start3A_71 = tpu.memref_squeeze %dma_start3A_70 : memref<1x32x12800xf32, #tpu.memory_space<vmem>> -> memref<32x12800xf32, #tpu.memory_space<vmem>>
        tpu.enqueue_dma source(%dma_start3A_71 : memref<32x12800xf32, #tpu.memory_space<vmem>>) target(%dma_start3A_67 : memref<32x12800xf32, #tpu.memory_space<any>>) target_semaphore(%dma_start3A_66 : memref<!tpu.dma_semaphore, #tpu.memory_space<semaphore_mem>>)
        %mul3A_72 = arith.constant 256 : i32
        %mul3A_73 = arith.muli %arg0, %mul3A_72 : i32
        %add3A_74 = arith.constant 64 : i32
        %add3A_75 = arith.addi %mul3A_73, %add3A_74 : i32
        %mul3A_76 = arith.constant 12800 : i32
        %mul3A_77 = arith.muli %arg1, %mul3A_76 : i32
        %dma_start3A_78 = arith.constant 0 : i32
        %dma_start3A_79 = arith.constant 0 : i32
        %dma_start3A_80 = tpu.memref_slice %arg8[%dma_start3A_79] : memref<3x!tpu.dma_semaphore, #tpu.memory_space<semaphore_mem>> -> memref<1x!tpu.dma_semaphore, #tpu.memory_space<semaphore_mem>>
        %dma_start3A_81 = tpu.memref_squeeze %dma_start3A_80 : memref<1x!tpu.dma_semaphore, #tpu.memory_space<semaphore_mem>> -> memref<!tpu.dma_semaphore, #tpu.memory_space<semaphore_mem>>
        %dma_start3A_82 = tpu.memref_slice %arg5[%add3A_75, %mul3A_77] : memref<1024x100000xf32, #tpu.memory_space<any>> -> memref<32x12800xf32, #tpu.memory_space<any>>
        %dma_start3A_83 = arith.constant 64 : i32
        %dma_start3A_84 = arith.constant 0 : i32
        %dma_start3A_85 = tpu.memref_slice %arg6[%dma_start3A_78, %dma_start3A_83, %dma_start3A_84] : memref<3x256x12800xf32, #tpu.memory_space<vmem>> -> memref<1x32x12800xf32, #tpu.memory_space<vmem>>
        %dma_start3A_86 = tpu.memref_squeeze %dma_start3A_85 : memref<1x32x12800xf32, #tpu.memory_space<vmem>> -> memref<32x12800xf32, #tpu.memory_space<vmem>>
        tpu.enqueue_dma source(%dma_start3A_86 : memref<32x12800xf32, #tpu.memory_space<vmem>>) target(%dma_start3A_82 : memref<32x12800xf32, #tpu.memory_space<any>>) target_semaphore(%dma_start3A_81 : memref<!tpu.dma_semaphore, #tpu.memory_space<semaphore_mem>>)
        %mul3A_87 = arith.constant 256 : i32
        %mul3A_88 = arith.muli %arg0, %mul3A_87 : i32
        %add3A_89 = arith.constant 96 : i32
        %add3A_90 = arith.addi %mul3A_88, %add3A_89 : i32
        %mul3A_91 = arith.constant 12800 : i32
        %mul3A_92 = arith.muli %arg1, %mul3A_91 : i32
        %dma_start3A_93 = arith.constant 0 : i32
        %dma_start3A_94 = arith.constant 0 : i32
        %dma_start3A_95 = tpu.memref_slice %arg8[%dma_start3A_94] : memref<3x!tpu.dma_semaphore, #tpu.memory_space<semaphore_mem>> -> memref<1x!tpu.dma_semaphore, #tpu.memory_space<semaphore_mem>>
        %dma_start3A_96 = tpu.memref_squeeze %dma_start3A_95 : memref<1x!tpu.dma_semaphore, #tpu.memory_space<semaphore_mem>> -> memref<!tpu.dma_semaphore, #tpu.memory_space<semaphore_mem>>
        %dma_start3A_97 = tpu.memref_slice %arg5[%add3A_90, %mul3A_92] : memref<1024x100000xf32, #tpu.memory_space<any>> -> memref<32x12800xf32, #tpu.memory_space<any>>
        %dma_start3A_98 = arith.constant 96 : i32
        %dma_start3A_99 = arith.constant 0 : i32
        %dma_start3A_100 = tpu.memref_slice %arg6[%dma_start3A_93, %dma_start3A_98, %dma_start3A_99] : memref<3x256x12800xf32, #tpu.memory_space<vmem>> -> memref<1x32x12800xf32, #tpu.memory_space<vmem>>
        %dma_start3A_101 = tpu.memref_squeeze %dma_start3A_100 : memref<1x32x12800xf32, #tpu.memory_space<vmem>> -> memref<32x12800xf32, #tpu.memory_space<vmem>>
        tpu.enqueue_dma source(%dma_start3A_101 : memref<32x12800xf32, #tpu.memory_space<vmem>>) target(%dma_start3A_97 : memref<32x12800xf32, #tpu.memory_space<any>>) target_semaphore(%dma_start3A_96 : memref<!tpu.dma_semaphore, #tpu.memory_space<semaphore_mem>>)
        %mul3A_102 = arith.constant 256 : i32
        %mul3A_103 = arith.muli %arg0, %mul3A_102 : i32
        %add3A_104 = arith.constant 128 : i32
        %add3A_105 = arith.addi %mul3A_103, %add3A_104 : i32
        %mul3A_106 = arith.constant 12800 : i32
        %mul3A_107 = arith.muli %arg1, %mul3A_106 : i32
        %dma_start3A_108 = arith.constant 0 : i32
        %dma_start3A_109 = arith.constant 0 : i32
        %dma_start3A_110 = tpu.memref_slice %arg8[%dma_start3A_109] : memref<3x!tpu.dma_semaphore, #tpu.memory_space<semaphore_mem>> -> memref<1x!tpu.dma_semaphore, #tpu.memory_space<semaphore_mem>>
        %dma_start3A_111 = tpu.memref_squeeze %dma_start3A_110 : memref<1x!tpu.dma_semaphore, #tpu.memory_space<semaphore_mem>> -> memref<!tpu.dma_semaphore, #tpu.memory_space<semaphore_mem>>
        %dma_start3A_112 = tpu.memref_slice %arg5[%add3A_105, %mul3A_107] : memref<1024x100000xf32, #tpu.memory_space<any>> -> memref<32x12800xf32, #tpu.memory_space<any>>
        %dma_start3A_113 = arith.constant 128 : i32
        %dma_start3A_114 = arith.constant 0 : i32
        %dma_start3A_115 = tpu.memref_slice %arg6[%dma_start3A_108, %dma_start3A_113, %dma_start3A_114] : memref<3x256x12800xf32, #tpu.memory_space<vmem>> -> memref<1x32x12800xf32, #tpu.memory_space<vmem>>
        %dma_start3A_116 = tpu.memref_squeeze %dma_start3A_115 : memref<1x32x12800xf32, #tpu.memory_space<vmem>> -> memref<32x12800xf32, #tpu.memory_space<vmem>>
        tpu.enqueue_dma source(%dma_start3A_116 : memref<32x12800xf32, #tpu.memory_space<vmem>>) target(%dma_start3A_112 : memref<32x12800xf32, #tpu.memory_space<any>>) target_semaphore(%dma_start3A_111 : memref<!tpu.dma_semaphore, #tpu.memory_space<semaphore_mem>>)
        %mul3A_117 = arith.constant 256 : i32
        %mul3A_118 = arith.muli %arg0, %mul3A_117 : i32
        %add3A_119 = arith.constant 160 : i32
        %add3A_120 = arith.addi %mul3A_118, %add3A_119 : i32
        %mul3A_121 = arith.constant 12800 : i32
        %mul3A_122 = arith.muli %arg1, %mul3A_121 : i32
        %dma_start3A_123 = arith.constant 0 : i32
        %dma_start3A_124 = arith.constant 0 : i32
        %dma_start3A_125 = tpu.memref_slice %arg8[%dma_start3A_124] : memref<3x!tpu.dma_semaphore, #tpu.memory_space<semaphore_mem>> -> memref<1x!tpu.dma_semaphore, #tpu.memory_space<semaphore_mem>>
        %dma_start3A_126 = tpu.memref_squeeze %dma_start3A_125 : memref<1x!tpu.dma_semaphore, #tpu.memory_space<semaphore_mem>> -> memref<!tpu.dma_semaphore, #tpu.memory_space<semaphore_mem>>
        %dma_start3A_127 = tpu.memref_slice %arg5[%add3A_120, %mul3A_122] : memref<1024x100000xf32, #tpu.memory_space<any>> -> memref<32x12800xf32, #tpu.memory_space<any>>
        %dma_start3A_128 = arith.constant 160 : i32
        %dma_start3A_129 = arith.constant 0 : i32
        %dma_start3A_130 = tpu.memref_slice %arg6[%dma_start3A_123, %dma_start3A_128, %dma_start3A_129] : memref<3x256x12800xf32, #tpu.memory_space<vmem>> -> memref<1x32x12800xf32, #tpu.memory_space<vmem>>
        %dma_start3A_131 = tpu.memref_squeeze %dma_start3A_130 : memref<1x32x12800xf32, #tpu.memory_space<vmem>> -> memref<32x12800xf32, #tpu.memory_space<vmem>>
        tpu.enqueue_dma source(%dma_start3A_131 : memref<32x12800xf32, #tpu.memory_space<vmem>>) target(%dma_start3A_127 : memref<32x12800xf32, #tpu.memory_space<any>>) target_semaphore(%dma_start3A_126 : memref<!tpu.dma_semaphore, #tpu.memory_space<semaphore_mem>>)
        %mul3A_132 = arith.constant 256 : i32
        %mul3A_133 = arith.muli %arg0, %mul3A_132 : i32
        %add3A_134 = arith.constant 192 : i32
        %add3A_135 = arith.addi %mul3A_133, %add3A_134 : i32
        %mul3A_136 = arith.constant 12800 : i32
        %mul3A_137 = arith.muli %arg1, %mul3A_136 : i32
        %dma_start3A_138 = arith.constant 0 : i32
        %dma_start3A_139 = arith.constant 0 : i32
        %dma_start3A_140 = tpu.memref_slice %arg8[%dma_start3A_139] : memref<3x!tpu.dma_semaphore, #tpu.memory_space<semaphore_mem>> -> memref<1x!tpu.dma_semaphore, #tpu.memory_space<semaphore_mem>>
        %dma_start3A_141 = tpu.memref_squeeze %dma_start3A_140 : memref<1x!tpu.dma_semaphore, #tpu.memory_space<semaphore_mem>> -> memref<!tpu.dma_semaphore, #tpu.memory_space<semaphore_mem>>
        %dma_start3A_142 = tpu.memref_slice %arg5[%add3A_135, %mul3A_137] : memref<1024x100000xf32, #tpu.memory_space<any>> -> memref<32x12800xf32, #tpu.memory_space<any>>
        %dma_start3A_143 = arith.constant 192 : i32
        %dma_start3A_144 = arith.constant 0 : i32
        %dma_start3A_145 = tpu.memref_slice %arg6[%dma_start3A_138, %dma_start3A_143, %dma_start3A_144] : memref<3x256x12800xf32, #tpu.memory_space<vmem>> -> memref<1x32x12800xf32, #tpu.memory_space<vmem>>
        %dma_start3A_146 = tpu.memref_squeeze %dma_start3A_145 : memref<1x32x12800xf32, #tpu.memory_space<vmem>> -> memref<32x12800xf32, #tpu.memory_space<vmem>>
        tpu.enqueue_dma source(%dma_start3A_146 : memref<32x12800xf32, #tpu.memory_space<vmem>>) target(%dma_start3A_142 : memref<32x12800xf32, #tpu.memory_space<any>>) target_semaphore(%dma_start3A_141 : memref<!tpu.dma_semaphore, #tpu.memory_space<semaphore_mem>>)
        %mul3A_147 = arith.constant 256 : i32
        %mul3A_148 = arith.muli %arg0, %mul3A_147 : i32
        %add3A_149 = arith.constant 224 : i32
        %add3A_150 = arith.addi %mul3A_148, %add3A_149 : i32
        %mul3A_151 = arith.constant 12800 : i32
        %mul3A_152 = arith.muli %arg1, %mul3A_151 : i32
        %dma_start3A_153 = arith.constant 0 : i32
        %dma_start3A_154 = arith.constant 0 : i32
        %dma_start3A_155 = tpu.memref_slice %arg8[%dma_start3A_154] : memref<3x!tpu.dma_semaphore, #tpu.memory_space<semaphore_mem>> -> memref<1x!tpu.dma_semaphore, #tpu.memory_space<semaphore_mem>>
        %dma_start3A_156 = tpu.memref_squeeze %dma_start3A_155 : memref<1x!tpu.dma_semaphore, #tpu.memory_space<semaphore_mem>> -> memref<!tpu.dma_semaphore, #tpu.memory_space<semaphore_mem>>
        %dma_start3A_157 = tpu.memref_slice %arg5[%add3A_150, %mul3A_152] : memref<1024x100000xf32, #tpu.memory_space<any>> -> memref<32x12800xf32, #tpu.memory_space<any>>
        %dma_start3A_158 = arith.constant 224 : i32
        %dma_start3A_159 = arith.constant 0 : i32
        %dma_start3A_160 = tpu.memref_slice %arg6[%dma_start3A_153, %dma_start3A_158, %dma_start3A_159] : memref<3x256x12800xf32, #tpu.memory_space<vmem>> -> memref<1x32x12800xf32, #tpu.memory_space<vmem>>
        %dma_start3A_161 = tpu.memref_squeeze %dma_start3A_160 : memref<1x32x12800xf32, #tpu.memory_space<vmem>> -> memref<32x12800xf32, #tpu.memory_space<vmem>>
        tpu.enqueue_dma source(%dma_start3A_161 : memref<32x12800xf32, #tpu.memory_space<vmem>>) target(%dma_start3A_157 : memref<32x12800xf32, #tpu.memory_space<any>>) target_semaphore(%dma_start3A_156 : memref<!tpu.dma_semaphore, #tpu.memory_space<semaphore_mem>>)
      } else {
      }
      %eq3A_33 = arith.constant 1 : i32
      %eq3A_34 = arith.cmpi eq, %rem3A_1, %eq3A_33 : i32
      %convert_element_type3A_35 = arith.extui %eq3A_34 : i1 to i32
      %cond3A_36 = arith.constant 0 : i32
      %cond3A_37 = arith.cmpi ne, %convert_element_type3A_35, %cond3A_36 : i32
      scf.if %cond3A_37 {
        %mul3A_43 = arith.constant 256 : i32
        %mul3A_44 = arith.muli %arg0, %mul3A_43 : i32
        %add3A_45 = arith.constant 0 : i32
        %add3A_46 = arith.addi %mul3A_44, %add3A_45 : i32
        %mul3A_47 = arith.constant 12800 : i32
        %mul3A_48 = arith.muli %arg1, %mul3A_47 : i32
        %dma_start3A = arith.constant 1 : i32
        %dma_start3A_49 = arith.constant 1 : i32
        %dma_start3A_50 = tpu.memref_slice %arg8[%dma_start3A_49] : memref<3x!tpu.dma_semaphore, #tpu.memory_space<semaphore_mem>> -> memref<1x!tpu.dma_semaphore, #tpu.memory_space<semaphore_mem>>
        %dma_start3A_51 = tpu.memref_squeeze %dma_start3A_50 : memref<1x!tpu.dma_semaphore, #tpu.memory_space<semaphore_mem>> -> memref<!tpu.dma_semaphore, #tpu.memory_space<semaphore_mem>>
        %dma_start3A_52 = tpu.memref_slice %arg5[%add3A_46, %mul3A_48] : memref<1024x100000xf32, #tpu.memory_space<any>> -> memref<32x12800xf32, #tpu.memory_space<any>>
        %dma_start3A_53 = arith.constant 0 : i32
        %dma_start3A_54 = arith.constant 0 : i32
        %dma_start3A_55 = tpu.memref_slice %arg6[%dma_start3A, %dma_start3A_53, %dma_start3A_54] : memref<3x256x12800xf32, #tpu.memory_space<vmem>> -> memref<1x32x12800xf32, #tpu.memory_space<vmem>>
        %dma_start3A_56 = tpu.memref_squeeze %dma_start3A_55 : memref<1x32x12800xf32, #tpu.memory_space<vmem>> -> memref<32x12800xf32, #tpu.memory_space<vmem>>
        tpu.enqueue_dma source(%dma_start3A_56 : memref<32x12800xf32, #tpu.memory_space<vmem>>) target(%dma_start3A_52 : memref<32x12800xf32, #tpu.memory_space<any>>) target_semaphore(%dma_start3A_51 : memref<!tpu.dma_semaphore, #tpu.memory_space<semaphore_mem>>)
        %mul3A_57 = arith.constant 256 : i32
        %mul3A_58 = arith.muli %arg0, %mul3A_57 : i32
        %add3A_59 = arith.constant 32 : i32
        %add3A_60 = arith.addi %mul3A_58, %add3A_59 : i32
        %mul3A_61 = arith.constant 12800 : i32
        %mul3A_62 = arith.muli %arg1, %mul3A_61 : i32
        %dma_start3A_63 = arith.constant 1 : i32
        %dma_start3A_64 = arith.constant 1 : i32
        %dma_start3A_65 = tpu.memref_slice %arg8[%dma_start3A_64] : memref<3x!tpu.dma_semaphore, #tpu.memory_space<semaphore_mem>> -> memref<1x!tpu.dma_semaphore, #tpu.memory_space<semaphore_mem>>
        %dma_start3A_66 = tpu.memref_squeeze %dma_start3A_65 : memref<1x!tpu.dma_semaphore, #tpu.memory_space<semaphore_mem>> -> memref<!tpu.dma_semaphore, #tpu.memory_space<semaphore_mem>>
        %dma_start3A_67 = tpu.memref_slice %arg5[%add3A_60, %mul3A_62] : memref<1024x100000xf32, #tpu.memory_space<any>> -> memref<32x12800xf32, #tpu.memory_space<any>>
        %dma_start3A_68 = arith.constant 32 : i32
        %dma_start3A_69 = arith.constant 0 : i32
        %dma_start3A_70 = tpu.memref_slice %arg6[%dma_start3A_63, %dma_start3A_68, %dma_start3A_69] : memref<3x256x12800xf32, #tpu.memory_space<vmem>> -> memref<1x32x12800xf32, #tpu.memory_space<vmem>>
        %dma_start3A_71 = tpu.memref_squeeze %dma_start3A_70 : memref<1x32x12800xf32, #tpu.memory_space<vmem>> -> memref<32x12800xf32, #tpu.memory_space<vmem>>
        tpu.enqueue_dma source(%dma_start3A_71 : memref<32x12800xf32, #tpu.memory_space<vmem>>) target(%dma_start3A_67 : memref<32x12800xf32, #tpu.memory_space<any>>) target_semaphore(%dma_start3A_66 : memref<!tpu.dma_semaphore, #tpu.memory_space<semaphore_mem>>)
        %mul3A_72 = arith.constant 256 : i32
        %mul3A_73 = arith.muli %arg0, %mul3A_72 : i32
        %add3A_74 = arith.constant 64 : i32
        %add3A_75 = arith.addi %mul3A_73, %add3A_74 : i32
        %mul3A_76 = arith.constant 12800 : i32
        %mul3A_77 = arith.muli %arg1, %mul3A_76 : i32
        %dma_start3A_78 = arith.constant 1 : i32
        %dma_start3A_79 = arith.constant 1 : i32
        %dma_start3A_80 = tpu.memref_slice %arg8[%dma_start3A_79] : memref<3x!tpu.dma_semaphore, #tpu.memory_space<semaphore_mem>> -> memref<1x!tpu.dma_semaphore, #tpu.memory_space<semaphore_mem>>
        %dma_start3A_81 = tpu.memref_squeeze %dma_start3A_80 : memref<1x!tpu.dma_semaphore, #tpu.memory_space<semaphore_mem>> -> memref<!tpu.dma_semaphore, #tpu.memory_space<semaphore_mem>>
        %dma_start3A_82 = tpu.memref_slice %arg5[%add3A_75, %mul3A_77] : memref<1024x100000xf32, #tpu.memory_space<any>> -> memref<32x12800xf32, #tpu.memory_space<any>>
        %dma_start3A_83 = arith.constant 64 : i32
        %dma_start3A_84 = arith.constant 0 : i32
        %dma_start3A_85 = tpu.memref_slice %arg6[%dma_start3A_78, %dma_start3A_83, %dma_start3A_84] : memref<3x256x12800xf32, #tpu.memory_space<vmem>> -> memref<1x32x12800xf32, #tpu.memory_space<vmem>>
        %dma_start3A_86 = tpu.memref_squeeze %dma_start3A_85 : memref<1x32x12800xf32, #tpu.memory_space<vmem>> -> memref<32x12800xf32, #tpu.memory_space<vmem>>
        tpu.enqueue_dma source(%dma_start3A_86 : memref<32x12800xf32, #tpu.memory_space<vmem>>) target(%dma_start3A_82 : memref<32x12800xf32, #tpu.memory_space<any>>) target_semaphore(%dma_start3A_81 : memref<!tpu.dma_semaphore, #tpu.memory_space<semaphore_mem>>)
        %mul3A_87 = arith.constant 256 : i32
        %mul3A_88 = arith.muli %arg0, %mul3A_87 : i32
        %add3A_89 = arith.constant 96 : i32
        %add3A_90 = arith.addi %mul3A_88, %add3A_89 : i32
        %mul3A_91 = arith.constant 12800 : i32
        %mul3A_92 = arith.muli %arg1, %mul3A_91 : i32
        %dma_start3A_93 = arith.constant 1 : i32
        %dma_start3A_94 = arith.constant 1 : i32
        %dma_start3A_95 = tpu.memref_slice %arg8[%dma_start3A_94] : memref<3x!tpu.dma_semaphore, #tpu.memory_space<semaphore_mem>> -> memref<1x!tpu.dma_semaphore, #tpu.memory_space<semaphore_mem>>
        %dma_start3A_96 = tpu.memref_squeeze %dma_start3A_95 : memref<1x!tpu.dma_semaphore, #tpu.memory_space<semaphore_mem>> -> memref<!tpu.dma_semaphore, #tpu.memory_space<semaphore_mem>>
        %dma_start3A_97 = tpu.memref_slice %arg5[%add3A_90, %mul3A_92] : memref<1024x100000xf32, #tpu.memory_space<any>> -> memref<32x12800xf32, #tpu.memory_space<any>>
        %dma_start3A_98 = arith.constant 96 : i32
        %dma_start3A_99 = arith.constant 0 : i32
        %dma_start3A_100 = tpu.memref_slice %arg6[%dma_start3A_93, %dma_start3A_98, %dma_start3A_99] : memref<3x256x12800xf32, #tpu.memory_space<vmem>> -> memref<1x32x12800xf32, #tpu.memory_space<vmem>>
        %dma_start3A_101 = tpu.memref_squeeze %dma_start3A_100 : memref<1x32x12800xf32, #tpu.memory_space<vmem>> -> memref<32x12800xf32, #tpu.memory_space<vmem>>
        tpu.enqueue_dma source(%dma_start3A_101 : memref<32x12800xf32, #tpu.memory_space<vmem>>) target(%dma_start3A_97 : memref<32x12800xf32, #tpu.memory_space<any>>) target_semaphore(%dma_start3A_96 : memref<!tpu.dma_semaphore, #tpu.memory_space<semaphore_mem>>)
        %mul3A_102 = arith.constant 256 : i32
        %mul3A_103 = arith.muli %arg0, %mul3A_102 : i32
        %add3A_104 = arith.constant 128 : i32
        %add3A_105 = arith.addi %mul3A_103, %add3A_104 : i32
        %mul3A_106 = arith.constant 12800 : i32
        %mul3A_107 = arith.muli %arg1, %mul3A_106 : i32
        %dma_start3A_108 = arith.constant 1 : i32
        %dma_start3A_109 = arith.constant 1 : i32
        %dma_start3A_110 = tpu.memref_slice %arg8[%dma_start3A_109] : memref<3x!tpu.dma_semaphore, #tpu.memory_space<semaphore_mem>> -> memref<1x!tpu.dma_semaphore, #tpu.memory_space<semaphore_mem>>
        %dma_start3A_111 = tpu.memref_squeeze %dma_start3A_110 : memref<1x!tpu.dma_semaphore, #tpu.memory_space<semaphore_mem>> -> memref<!tpu.dma_semaphore, #tpu.memory_space<semaphore_mem>>
        %dma_start3A_112 = tpu.memref_slice %arg5[%add3A_105, %mul3A_107] : memref<1024x100000xf32, #tpu.memory_space<any>> -> memref<32x12800xf32, #tpu.memory_space<any>>
        %dma_start3A_113 = arith.constant 128 : i32
        %dma_start3A_114 = arith.constant 0 : i32
        %dma_start3A_115 = tpu.memref_slice %arg6[%dma_start3A_108, %dma_start3A_113, %dma_start3A_114] : memref<3x256x12800xf32, #tpu.memory_space<vmem>> -> memref<1x32x12800xf32, #tpu.memory_space<vmem>>
        %dma_start3A_116 = tpu.memref_squeeze %dma_start3A_115 : memref<1x32x12800xf32, #tpu.memory_space<vmem>> -> memref<32x12800xf32, #tpu.memory_space<vmem>>
        tpu.enqueue_dma source(%dma_start3A_116 : memref<32x12800xf32, #tpu.memory_space<vmem>>) target(%dma_start3A_112 : memref<32x12800xf32, #tpu.memory_space<any>>) target_semaphore(%dma_start3A_111 : memref<!tpu.dma_semaphore, #tpu.memory_space<semaphore_mem>>)
        %mul3A_117 = arith.constant 256 : i32
        %mul3A_118 = arith.muli %arg0, %mul3A_117 : i32
        %add3A_119 = arith.constant 160 : i32
        %add3A_120 = arith.addi %mul3A_118, %add3A_119 : i32
        %mul3A_121 = arith.constant 12800 : i32
        %mul3A_122 = arith.muli %arg1, %mul3A_121 : i32
        %dma_start3A_123 = arith.constant 1 : i32
        %dma_start3A_124 = arith.constant 1 : i32
        %dma_start3A_125 = tpu.memref_slice %arg8[%dma_start3A_124] : memref<3x!tpu.dma_semaphore, #tpu.memory_space<semaphore_mem>> -> memref<1x!tpu.dma_semaphore, #tpu.memory_space<semaphore_mem>>
        %dma_start3A_126 = tpu.memref_squeeze %dma_start3A_125 : memref<1x!tpu.dma_semaphore, #tpu.memory_space<semaphore_mem>> -> memref<!tpu.dma_semaphore, #tpu.memory_space<semaphore_mem>>
        %dma_start3A_127 = tpu.memref_slice %arg5[%add3A_120, %mul3A_122] : memref<1024x100000xf32, #tpu.memory_space<any>> -> memref<32x12800xf32, #tpu.memory_space<any>>
        %dma_start3A_128 = arith.constant 160 : i32
        %dma_start3A_129 = arith.constant 0 : i32
        %dma_start3A_130 = tpu.memref_slice %arg6[%dma_start3A_123, %dma_start3A_128, %dma_start3A_129] : memref<3x256x12800xf32, #tpu.memory_space<vmem>> -> memref<1x32x12800xf32, #tpu.memory_space<vmem>>
        %dma_start3A_131 = tpu.memref_squeeze %dma_start3A_130 : memref<1x32x12800xf32, #tpu.memory_space<vmem>> -> memref<32x12800xf32, #tpu.memory_space<vmem>>
        tpu.enqueue_dma source(%dma_start3A_131 : memref<32x12800xf32, #tpu.memory_space<vmem>>) target(%dma_start3A_127 : memref<32x12800xf32, #tpu.memory_space<any>>) target_semaphore(%dma_start3A_126 : memref<!tpu.dma_semaphore, #tpu.memory_space<semaphore_mem>>)
        %mul3A_132 = arith.constant 256 : i32
        %mul3A_133 = arith.muli %arg0, %mul3A_132 : i32
        %add3A_134 = arith.constant 192 : i32
        %add3A_135 = arith.addi %mul3A_133, %add3A_134 : i32
        %mul3A_136 = arith.constant 12800 : i32
        %mul3A_137 = arith.muli %arg1, %mul3A_136 : i32
        %dma_start3A_138 = arith.constant 1 : i32
        %dma_start3A_139 = arith.constant 1 : i32
        %dma_start3A_140 = tpu.memref_slice %arg8[%dma_start3A_139] : memref<3x!tpu.dma_semaphore, #tpu.memory_space<semaphore_mem>> -> memref<1x!tpu.dma_semaphore, #tpu.memory_space<semaphore_mem>>
        %dma_start3A_141 = tpu.memref_squeeze %dma_start3A_140 : memref<1x!tpu.dma_semaphore, #tpu.memory_space<semaphore_mem>> -> memref<!tpu.dma_semaphore, #tpu.memory_space<semaphore_mem>>
        %dma_start3A_142 = tpu.memref_slice %arg5[%add3A_135, %mul3A_137] : memref<1024x100000xf32, #tpu.memory_space<any>> -> memref<32x12800xf32, #tpu.memory_space<any>>
        %dma_start3A_143 = arith.constant 192 : i32
        %dma_start3A_144 = arith.constant 0 : i32
        %dma_start3A_145 = tpu.memref_slice %arg6[%dma_start3A_138, %dma_start3A_143, %dma_start3A_144] : memref<3x256x12800xf32, #tpu.memory_space<vmem>> -> memref<1x32x12800xf32, #tpu.memory_space<vmem>>
        %dma_start3A_146 = tpu.memref_squeeze %dma_start3A_145 : memref<1x32x12800xf32, #tpu.memory_space<vmem>> -> memref<32x12800xf32, #tpu.memory_space<vmem>>
        tpu.enqueue_dma source(%dma_start3A_146 : memref<32x12800xf32, #tpu.memory_space<vmem>>) target(%dma_start3A_142 : memref<32x12800xf32, #tpu.memory_space<any>>) target_semaphore(%dma_start3A_141 : memref<!tpu.dma_semaphore, #tpu.memory_space<semaphore_mem>>)
        %mul3A_147 = arith.constant 256 : i32
        %mul3A_148 = arith.muli %arg0, %mul3A_147 : i32
        %add3A_149 = arith.constant 224 : i32
        %add3A_150 = arith.addi %mul3A_148, %add3A_149 : i32
        %mul3A_151 = arith.constant 12800 : i32
        %mul3A_152 = arith.muli %arg1, %mul3A_151 : i32
        %dma_start3A_153 = arith.constant 1 : i32
        %dma_start3A_154 = arith.constant 1 : i32
        %dma_start3A_155 = tpu.memref_slice %arg8[%dma_start3A_154] : memref<3x!tpu.dma_semaphore, #tpu.memory_space<semaphore_mem>> -> memref<1x!tpu.dma_semaphore, #tpu.memory_space<semaphore_mem>>
        %dma_start3A_156 = tpu.memref_squeeze %dma_start3A_155 : memref<1x!tpu.dma_semaphore, #tpu.memory_space<semaphore_mem>> -> memref<!tpu.dma_semaphore, #tpu.memory_space<semaphore_mem>>
        %dma_start3A_157 = tpu.memref_slice %arg5[%add3A_150, %mul3A_152] : memref<1024x100000xf32, #tpu.memory_space<any>> -> memref<32x12800xf32, #tpu.memory_space<any>>
        %dma_start3A_158 = arith.constant 224 : i32
        %dma_start3A_159 = arith.constant 0 : i32
        %dma_start3A_160 = tpu.memref_slice %arg6[%dma_start3A_153, %dma_start3A_158, %dma_start3A_159] : memref<3x256x12800xf32, #tpu.memory_space<vmem>> -> memref<1x32x12800xf32, #tpu.memory_space<vmem>>
        %dma_start3A_161 = tpu.memref_squeeze %dma_start3A_160 : memref<1x32x12800xf32, #tpu.memory_space<vmem>> -> memref<32x12800xf32, #tpu.memory_space<vmem>>
        tpu.enqueue_dma source(%dma_start3A_161 : memref<32x12800xf32, #tpu.memory_space<vmem>>) target(%dma_start3A_157 : memref<32x12800xf32, #tpu.memory_space<any>>) target_semaphore(%dma_start3A_156 : memref<!tpu.dma_semaphore, #tpu.memory_space<semaphore_mem>>)
      } else {
      }
      %eq3A_38 = arith.constant 2 : i32
      %eq3A_39 = arith.cmpi eq, %rem3A_1, %eq3A_38 : i32
      %convert_element_type3A_40 = arith.extui %eq3A_39 : i1 to i32
      %cond3A_41 = arith.constant 0 : i32
      %cond3A_42 = arith.cmpi ne, %convert_element_type3A_40, %cond3A_41 : i32
      scf.if %cond3A_42 {
        %mul3A_43 = arith.constant 256 : i32
        %mul3A_44 = arith.muli %arg0, %mul3A_43 : i32
        %add3A_45 = arith.constant 0 : i32
        %add3A_46 = arith.addi %mul3A_44, %add3A_45 : i32
        %mul3A_47 = arith.constant 12800 : i32
        %mul3A_48 = arith.muli %arg1, %mul3A_47 : i32
        %dma_start3A = arith.constant 2 : i32
        %dma_start3A_49 = arith.constant 2 : i32
        %dma_start3A_50 = tpu.memref_slice %arg8[%dma_start3A_49] : memref<3x!tpu.dma_semaphore, #tpu.memory_space<semaphore_mem>> -> memref<1x!tpu.dma_semaphore, #tpu.memory_space<semaphore_mem>>
        %dma_start3A_51 = tpu.memref_squeeze %dma_start3A_50 : memref<1x!tpu.dma_semaphore, #tpu.memory_space<semaphore_mem>> -> memref<!tpu.dma_semaphore, #tpu.memory_space<semaphore_mem>>
        %dma_start3A_52 = tpu.memref_slice %arg5[%add3A_46, %mul3A_48] : memref<1024x100000xf32, #tpu.memory_space<any>> -> memref<32x12800xf32, #tpu.memory_space<any>>
        %dma_start3A_53 = arith.constant 0 : i32
        %dma_start3A_54 = arith.constant 0 : i32
        %dma_start3A_55 = tpu.memref_slice %arg6[%dma_start3A, %dma_start3A_53, %dma_start3A_54] : memref<3x256x12800xf32, #tpu.memory_space<vmem>> -> memref<1x32x12800xf32, #tpu.memory_space<vmem>>
        %dma_start3A_56 = tpu.memref_squeeze %dma_start3A_55 : memref<1x32x12800xf32, #tpu.memory_space<vmem>> -> memref<32x12800xf32, #tpu.memory_space<vmem>>
        tpu.enqueue_dma source(%dma_start3A_56 : memref<32x12800xf32, #tpu.memory_space<vmem>>) target(%dma_start3A_52 : memref<32x12800xf32, #tpu.memory_space<any>>) target_semaphore(%dma_start3A_51 : memref<!tpu.dma_semaphore, #tpu.memory_space<semaphore_mem>>)
        %mul3A_57 = arith.constant 256 : i32
        %mul3A_58 = arith.muli %arg0, %mul3A_57 : i32
        %add3A_59 = arith.constant 32 : i32
        %add3A_60 = arith.addi %mul3A_58, %add3A_59 : i32
        %mul3A_61 = arith.constant 12800 : i32
        %mul3A_62 = arith.muli %arg1, %mul3A_61 : i32
        %dma_start3A_63 = arith.constant 2 : i32
        %dma_start3A_64 = arith.constant 2 : i32
        %dma_start3A_65 = tpu.memref_slice %arg8[%dma_start3A_64] : memref<3x!tpu.dma_semaphore, #tpu.memory_space<semaphore_mem>> -> memref<1x!tpu.dma_semaphore, #tpu.memory_space<semaphore_mem>>
        %dma_start3A_66 = tpu.memref_squeeze %dma_start3A_65 : memref<1x!tpu.dma_semaphore, #tpu.memory_space<semaphore_mem>> -> memref<!tpu.dma_semaphore, #tpu.memory_space<semaphore_mem>>
        %dma_start3A_67 = tpu.memref_slice %arg5[%add3A_60, %mul3A_62] : memref<1024x100000xf32, #tpu.memory_space<any>> -> memref<32x12800xf32, #tpu.memory_space<any>>
        %dma_start3A_68 = arith.constant 32 : i32
        %dma_start3A_69 = arith.constant 0 : i32
        %dma_start3A_70 = tpu.memref_slice %arg6[%dma_start3A_63, %dma_start3A_68, %dma_start3A_69] : memref<3x256x12800xf32, #tpu.memory_space<vmem>> -> memref<1x32x12800xf32, #tpu.memory_space<vmem>>
        %dma_start3A_71 = tpu.memref_squeeze %dma_start3A_70 : memref<1x32x12800xf32, #tpu.memory_space<vmem>> -> memref<32x12800xf32, #tpu.memory_space<vmem>>
        tpu.enqueue_dma source(%dma_start3A_71 : memref<32x12800xf32, #tpu.memory_space<vmem>>) target(%dma_start3A_67 : memref<32x12800xf32, #tpu.memory_space<any>>) target_semaphore(%dma_start3A_66 : memref<!tpu.dma_semaphore, #tpu.memory_space<semaphore_mem>>)
        %mul3A_72 = arith.constant 256 : i32
        %mul3A_73 = arith.muli %arg0, %mul3A_72 : i32
        %add3A_74 = arith.constant 64 : i32
        %add3A_75 = arith.addi %mul3A_73, %add3A_74 : i32
        %mul3A_76 = arith.constant 12800 : i32
        %mul3A_77 = arith.muli %arg1, %mul3A_76 : i32
        %dma_start3A_78 = arith.constant 2 : i32
        %dma_start3A_79 = arith.constant 2 : i32
        %dma_start3A_80 = tpu.memref_slice %arg8[%dma_start3A_79] : memref<3x!tpu.dma_semaphore, #tpu.memory_space<semaphore_mem>> -> memref<1x!tpu.dma_semaphore, #tpu.memory_space<semaphore_mem>>
        %dma_start3A_81 = tpu.memref_squeeze %dma_start3A_80 : memref<1x!tpu.dma_semaphore, #tpu.memory_space<semaphore_mem>> -> memref<!tpu.dma_semaphore, #tpu.memory_space<semaphore_mem>>
        %dma_start3A_82 = tpu.memref_slice %arg5[%add3A_75, %mul3A_77] : memref<1024x100000xf32, #tpu.memory_space<any>> -> memref<32x12800xf32, #tpu.memory_space<any>>
        %dma_start3A_83 = arith.constant 64 : i32
        %dma_start3A_84 = arith.constant 0 : i32
        %dma_start3A_85 = tpu.memref_slice %arg6[%dma_start3A_78, %dma_start3A_83, %dma_start3A_84] : memref<3x256x12800xf32, #tpu.memory_space<vmem>> -> memref<1x32x12800xf32, #tpu.memory_space<vmem>>
        %dma_start3A_86 = tpu.memref_squeeze %dma_start3A_85 : memref<1x32x12800xf32, #tpu.memory_space<vmem>> -> memref<32x12800xf32, #tpu.memory_space<vmem>>
        tpu.enqueue_dma source(%dma_start3A_86 : memref<32x12800xf32, #tpu.memory_space<vmem>>) target(%dma_start3A_82 : memref<32x12800xf32, #tpu.memory_space<any>>) target_semaphore(%dma_start3A_81 : memref<!tpu.dma_semaphore, #tpu.memory_space<semaphore_mem>>)
        %mul3A_87 = arith.constant 256 : i32
        %mul3A_88 = arith.muli %arg0, %mul3A_87 : i32
        %add3A_89 = arith.constant 96 : i32
        %add3A_90 = arith.addi %mul3A_88, %add3A_89 : i32
        %mul3A_91 = arith.constant 12800 : i32
        %mul3A_92 = arith.muli %arg1, %mul3A_91 : i32
        %dma_start3A_93 = arith.constant 2 : i32
        %dma_start3A_94 = arith.constant 2 : i32
        %dma_start3A_95 = tpu.memref_slice %arg8[%dma_start3A_94] : memref<3x!tpu.dma_semaphore, #tpu.memory_space<semaphore_mem>> -> memref<1x!tpu.dma_semaphore, #tpu.memory_space<semaphore_mem>>
        %dma_start3A_96 = tpu.memref_squeeze %dma_start3A_95 : memref<1x!tpu.dma_semaphore, #tpu.memory_space<semaphore_mem>> -> memref<!tpu.dma_semaphore, #tpu.memory_space<semaphore_mem>>
        %dma_start3A_97 = tpu.memref_slice %arg5[%add3A_90, %mul3A_92] : memref<1024x100000xf32, #tpu.memory_space<any>> -> memref<32x12800xf32, #tpu.memory_space<any>>
        %dma_start3A_98 = arith.constant 96 : i32
        %dma_start3A_99 = arith.constant 0 : i32
        %dma_start3A_100 = tpu.memref_slice %arg6[%dma_start3A_93, %dma_start3A_98, %dma_start3A_99] : memref<3x256x12800xf32, #tpu.memory_space<vmem>> -> memref<1x32x12800xf32, #tpu.memory_space<vmem>>
        %dma_start3A_101 = tpu.memref_squeeze %dma_start3A_100 : memref<1x32x12800xf32, #tpu.memory_space<vmem>> -> memref<32x12800xf32, #tpu.memory_space<vmem>>
        tpu.enqueue_dma source(%dma_start3A_101 : memref<32x12800xf32, #tpu.memory_space<vmem>>) target(%dma_start3A_97 : memref<32x12800xf32, #tpu.memory_space<any>>) target_semaphore(%dma_start3A_96 : memref<!tpu.dma_semaphore, #tpu.memory_space<semaphore_mem>>)
        %mul3A_102 = arith.constant 256 : i32
        %mul3A_103 = arith.muli %arg0, %mul3A_102 : i32
        %add3A_104 = arith.constant 128 : i32
        %add3A_105 = arith.addi %mul3A_103, %add3A_104 : i32
        %mul3A_106 = arith.constant 12800 : i32
        %mul3A_107 = arith.muli %arg1, %mul3A_106 : i32
        %dma_start3A_108 = arith.constant 2 : i32
        %dma_start3A_109 = arith.constant 2 : i32
        %dma_start3A_110 = tpu.memref_slice %arg8[%dma_start3A_109] : memref<3x!tpu.dma_semaphore, #tpu.memory_space<semaphore_mem>> -> memref<1x!tpu.dma_semaphore, #tpu.memory_space<semaphore_mem>>
        %dma_start3A_111 = tpu.memref_squeeze %dma_start3A_110 : memref<1x!tpu.dma_semaphore, #tpu.memory_space<semaphore_mem>> -> memref<!tpu.dma_semaphore, #tpu.memory_space<semaphore_mem>>
        %dma_start3A_112 = tpu.memref_slice %arg5[%add3A_105, %mul3A_107] : memref<1024x100000xf32, #tpu.memory_space<any>> -> memref<32x12800xf32, #tpu.memory_space<any>>
        %dma_start3A_113 = arith.constant 128 : i32
        %dma_start3A_114 = arith.constant 0 : i32
        %dma_start3A_115 = tpu.memref_slice %arg6[%dma_start3A_108, %dma_start3A_113, %dma_start3A_114] : memref<3x256x12800xf32, #tpu.memory_space<vmem>> -> memref<1x32x12800xf32, #tpu.memory_space<vmem>>
        %dma_start3A_116 = tpu.memref_squeeze %dma_start3A_115 : memref<1x32x12800xf32, #tpu.memory_space<vmem>> -> memref<32x12800xf32, #tpu.memory_space<vmem>>
        tpu.enqueue_dma source(%dma_start3A_116 : memref<32x12800xf32, #tpu.memory_space<vmem>>) target(%dma_start3A_112 : memref<32x12800xf32, #tpu.memory_space<any>>) target_semaphore(%dma_start3A_111 : memref<!tpu.dma_semaphore, #tpu.memory_space<semaphore_mem>>)
        %mul3A_117 = arith.constant 256 : i32
        %mul3A_118 = arith.muli %arg0, %mul3A_117 : i32
        %add3A_119 = arith.constant 160 : i32
        %add3A_120 = arith.addi %mul3A_118, %add3A_119 : i32
        %mul3A_121 = arith.constant 12800 : i32
        %mul3A_122 = arith.muli %arg1, %mul3A_121 : i32
        %dma_start3A_123 = arith.constant 2 : i32
        %dma_start3A_124 = arith.constant 2 : i32
        %dma_start3A_125 = tpu.memref_slice %arg8[%dma_start3A_124] : memref<3x!tpu.dma_semaphore, #tpu.memory_space<semaphore_mem>> -> memref<1x!tpu.dma_semaphore, #tpu.memory_space<semaphore_mem>>
        %dma_start3A_126 = tpu.memref_squeeze %dma_start3A_125 : memref<1x!tpu.dma_semaphore, #tpu.memory_space<semaphore_mem>> -> memref<!tpu.dma_semaphore, #tpu.memory_space<semaphore_mem>>
        %dma_start3A_127 = tpu.memref_slice %arg5[%add3A_120, %mul3A_122] : memref<1024x100000xf32, #tpu.memory_space<any>> -> memref<32x12800xf32, #tpu.memory_space<any>>
        %dma_start3A_128 = arith.constant 160 : i32
        %dma_start3A_129 = arith.constant 0 : i32
        %dma_start3A_130 = tpu.memref_slice %arg6[%dma_start3A_123, %dma_start3A_128, %dma_start3A_129] : memref<3x256x12800xf32, #tpu.memory_space<vmem>> -> memref<1x32x12800xf32, #tpu.memory_space<vmem>>
        %dma_start3A_131 = tpu.memref_squeeze %dma_start3A_130 : memref<1x32x12800xf32, #tpu.memory_space<vmem>> -> memref<32x12800xf32, #tpu.memory_space<vmem>>
        tpu.enqueue_dma source(%dma_start3A_131 : memref<32x12800xf32, #tpu.memory_space<vmem>>) target(%dma_start3A_127 : memref<32x12800xf32, #tpu.memory_space<any>>) target_semaphore(%dma_start3A_126 : memref<!tpu.dma_semaphore, #tpu.memory_space<semaphore_mem>>)
        %mul3A_132 = arith.constant 256 : i32
        %mul3A_133 = arith.muli %arg0, %mul3A_132 : i32
        %add3A_134 = arith.constant 192 : i32
        %add3A_135 = arith.addi %mul3A_133, %add3A_134 : i32
        %mul3A_136 = arith.constant 12800 : i32
        %mul3A_137 = arith.muli %arg1, %mul3A_136 : i32
        %dma_start3A_138 = arith.constant 2 : i32
        %dma_start3A_139 = arith.constant 2 : i32
        %dma_start3A_140 = tpu.memref_slice %arg8[%dma_start3A_139] : memref<3x!tpu.dma_semaphore, #tpu.memory_space<semaphore_mem>> -> memref<1x!tpu.dma_semaphore, #tpu.memory_space<semaphore_mem>>
        %dma_start3A_141 = tpu.memref_squeeze %dma_start3A_140 : memref<1x!tpu.dma_semaphore, #tpu.memory_space<semaphore_mem>> -> memref<!tpu.dma_semaphore, #tpu.memory_space<semaphore_mem>>
        %dma_start3A_142 = tpu.memref_slice %arg5[%add3A_135, %mul3A_137] : memref<1024x100000xf32, #tpu.memory_space<any>> -> memref<32x12800xf32, #tpu.memory_space<any>>
        %dma_start3A_143 = arith.constant 192 : i32
        %dma_start3A_144 = arith.constant 0 : i32
        %dma_start3A_145 = tpu.memref_slice %arg6[%dma_start3A_138, %dma_start3A_143, %dma_start3A_144] : memref<3x256x12800xf32, #tpu.memory_space<vmem>> -> memref<1x32x12800xf32, #tpu.memory_space<vmem>>
        %dma_start3A_146 = tpu.memref_squeeze %dma_start3A_145 : memref<1x32x12800xf32, #tpu.memory_space<vmem>> -> memref<32x12800xf32, #tpu.memory_space<vmem>>
        tpu.enqueue_dma source(%dma_start3A_146 : memref<32x12800xf32, #tpu.memory_space<vmem>>) target(%dma_start3A_142 : memref<32x12800xf32, #tpu.memory_space<any>>) target_semaphore(%dma_start3A_141 : memref<!tpu.dma_semaphore, #tpu.memory_space<semaphore_mem>>)
        %mul3A_147 = arith.constant 256 : i32
        %mul3A_148 = arith.muli %arg0, %mul3A_147 : i32
        %add3A_149 = arith.constant 224 : i32
        %add3A_150 = arith.addi %mul3A_148, %add3A_149 : i32
        %mul3A_151 = arith.constant 12800 : i32
        %mul3A_152 = arith.muli %arg1, %mul3A_151 : i32
        %dma_start3A_153 = arith.constant 2 : i32
        %dma_start3A_154 = arith.constant 2 : i32
        %dma_start3A_155 = tpu.memref_slice %arg8[%dma_start3A_154] : memref<3x!tpu.dma_semaphore, #tpu.memory_space<semaphore_mem>> -> memref<1x!tpu.dma_semaphore, #tpu.memory_space<semaphore_mem>>
        %dma_start3A_156 = tpu.memref_squeeze %dma_start3A_155 : memref<1x!tpu.dma_semaphore, #tpu.memory_space<semaphore_mem>> -> memref<!tpu.dma_semaphore, #tpu.memory_space<semaphore_mem>>
        %dma_start3A_157 = tpu.memref_slice %arg5[%add3A_150, %mul3A_152] : memref<1024x100000xf32, #tpu.memory_space<any>> -> memref<32x12800xf32, #tpu.memory_space<any>>
        %dma_start3A_158 = arith.constant 224 : i32
        %dma_start3A_159 = arith.constant 0 : i32
        %dma_start3A_160 = tpu.memref_slice %arg6[%dma_start3A_153, %dma_start3A_158, %dma_start3A_159] : memref<3x256x12800xf32, #tpu.memory_space<vmem>> -> memref<1x32x12800xf32, #tpu.memory_space<vmem>>
        %dma_start3A_161 = tpu.memref_squeeze %dma_start3A_160 : memref<1x32x12800xf32, #tpu.memory_space<vmem>> -> memref<32x12800xf32, #tpu.memory_space<vmem>>
        tpu.enqueue_dma source(%dma_start3A_161 : memref<32x12800xf32, #tpu.memory_space<vmem>>) target(%dma_start3A_157 : memref<32x12800xf32, #tpu.memory_space<any>>) target_semaphore(%dma_start3A_156 : memref<!tpu.dma_semaphore, #tpu.memory_space<semaphore_mem>>)
      } else {
      }
    } else {
    }
    %eq3A = arith.constant 7 : i32
    %eq3A_15 = arith.cmpi eq, %arg1, %eq3A : i32
    %convert_element_type3A_16 = arith.extui %eq3A_15 : i1 to i32
    %cond3A_17 = arith.constant 0 : i32
    %cond3A_18 = arith.cmpi ne, %convert_element_type3A_16, %cond3A_17 : i32
    scf.if %cond3A_18 {
      %ge3A = arith.constant 1 : i32
      %ge3A_19 = arith.cmpi sge, %arg0, %ge3A : i32
      %convert_element_type3A_20 = arith.extui %ge3A_19 : i1 to i32
      %cond3A_21 = arith.constant 0 : i32
      %cond3A_22 = arith.cmpi ne, %convert_element_type3A_20, %cond3A_21 : i32
      scf.if %cond3A_22 {
        %dma_wait3A = arith.constant 0 : i32
        %dma_wait3A_33 = arith.constant 89600 : i32
        %dma_wait3A_34 = tpu.memref_slice %arg5[%dma_wait3A, %dma_wait3A_33] : memref<1024x100000xf32, #tpu.memory_space<any>> -> memref<256x10400xf32, #tpu.memory_space<any>>
        tpu.wait_dma2 semaphore(%arg9 : memref<!tpu.dma_semaphore, #tpu.memory_space<semaphore_mem>>) src(%arg7 : memref<256x10400xf32, #tpu.memory_space<vmem>>) dst(%dma_wait3A_34 : memref<256x10400xf32, #tpu.memory_space<any>>)
      } else {
      }
      %slice3A = vector.extract_strided_slice %add3A_12 {offsets = [0, 0], sizes = [256, 10400], strides = [1, 1]} : vector<256x12800xf32> to vector<256x10400xf32>
      %swap3A = arith.constant 0 : index
      %swap3A_23 = arith.constant 0 : index
      %swap3A_24 = vector.load %arg7[%swap3A, %swap3A_23] : memref<256x10400xf32, #tpu.memory_space<vmem>>, vector<256x10400xf32>
      tpu.vector_store %arg7[%swap3A, %swap3A_23], %slice3A {strides = array<i32>} : memref<256x10400xf32, #tpu.memory_space<vmem>>, vector<256x10400xf32>,
      %mul3A_25 = arith.constant 256 : i32
      %mul3A_26 = arith.muli %arg0, %mul3A_25 : i32
      %dma_start3A = arith.constant 89600 : i32
      %dma_start3A_27 = tpu.memref_slice %arg5[%mul3A_26, %dma_start3A] : memref<1024x100000xf32, #tpu.memory_space<any>> -> memref<256x10400xf32, #tpu.memory_space<any>>
      tpu.enqueue_dma source(%arg7 : memref<256x10400xf32, #tpu.memory_space<vmem>>) target(%dma_start3A_27 : memref<256x10400xf32, #tpu.memory_space<any>>) target_semaphore(%arg9 : memref<!tpu.dma_semaphore, #tpu.memory_space<semaphore_mem>>)
      %eq3A_28 = arith.constant 31 : i32
      %eq3A_29 = arith.cmpi eq, %add3A, %eq3A_28 : i32
      %convert_element_type3A_30 = arith.extui %eq3A_29 : i1 to i32
      %cond3A_31 = arith.constant 0 : i32
      %cond3A_32 = arith.cmpi ne, %convert_element_type3A_30, %cond3A_31 : i32
      scf.if %cond3A_32 {
        %dma_wait3A = arith.constant 0 : i32
        %dma_wait3A_33 = arith.constant 0 : i32
        %dma_wait3A_34 = tpu.memref_slice %arg8[%dma_wait3A_33] : memref<3x!tpu.dma_semaphore, #tpu.memory_space<semaphore_mem>> -> memref<1x!tpu.dma_semaphore, #tpu.memory_space<semaphore_mem>>
        %dma_wait3A_35 = tpu.memref_squeeze %dma_wait3A_34 : memref<1x!tpu.dma_semaphore, #tpu.memory_space<semaphore_mem>> -> memref<!tpu.dma_semaphore, #tpu.memory_space<semaphore_mem>>
        %dma_wait3A_36 = arith.constant 0 : i32
        %dma_wait3A_37 = arith.constant 0 : i32
        %dma_wait3A_38 = tpu.memref_slice %arg5[%dma_wait3A_36, %dma_wait3A_37] : memref<1024x100000xf32, #tpu.memory_space<any>> -> memref<32x12800xf32, #tpu.memory_space<any>>
        %dma_wait3A_39 = arith.constant 0 : i32
        %dma_wait3A_40 = arith.constant 0 : i32
        %dma_wait3A_41 = tpu.memref_slice %arg6[%dma_wait3A, %dma_wait3A_39, %dma_wait3A_40] : memref<3x256x12800xf32, #tpu.memory_space<vmem>> -> memref<1x32x12800xf32, #tpu.memory_space<vmem>>
        %dma_wait3A_42 = tpu.memref_squeeze %dma_wait3A_41 : memref<1x32x12800xf32, #tpu.memory_space<vmem>> -> memref<32x12800xf32, #tpu.memory_space<vmem>>
        tpu.wait_dma2 semaphore(%dma_wait3A_35 : memref<!tpu.dma_semaphore, #tpu.memory_space<semaphore_mem>>) src(%dma_wait3A_42 : memref<32x12800xf32, #tpu.memory_space<vmem>>) dst(%dma_wait3A_38 : memref<32x12800xf32, #tpu.memory_space<any>>)
        %dma_wait3A_43 = arith.constant 0 : i32
        %dma_wait3A_44 = arith.constant 0 : i32
        %dma_wait3A_45 = tpu.memref_slice %arg8[%dma_wait3A_44] : memref<3x!tpu.dma_semaphore, #tpu.memory_space<semaphore_mem>> -> memref<1x!tpu.dma_semaphore, #tpu.memory_space<semaphore_mem>>
        %dma_wait3A_46 = tpu.memref_squeeze %dma_wait3A_45 : memref<1x!tpu.dma_semaphore, #tpu.memory_space<semaphore_mem>> -> memref<!tpu.dma_semaphore, #tpu.memory_space<semaphore_mem>>
        %dma_wait3A_47 = arith.constant 0 : i32
        %dma_wait3A_48 = arith.constant 0 : i32
        %dma_wait3A_49 = tpu.memref_slice %arg5[%dma_wait3A_47, %dma_wait3A_48] : memref<1024x100000xf32, #tpu.memory_space<any>> -> memref<32x12800xf32, #tpu.memory_space<any>>
        %dma_wait3A_50 = arith.constant 0 : i32
        %dma_wait3A_51 = arith.constant 0 : i32
        %dma_wait3A_52 = tpu.memref_slice %arg6[%dma_wait3A_43, %dma_wait3A_50, %dma_wait3A_51] : memref<3x256x12800xf32, #tpu.memory_space<vmem>> -> memref<1x32x12800xf32, #tpu.memory_space<vmem>>
        %dma_wait3A_53 = tpu.memref_squeeze %dma_wait3A_52 : memref<1x32x12800xf32, #tpu.memory_space<vmem>> -> memref<32x12800xf32, #tpu.memory_space<vmem>>
        tpu.wait_dma2 semaphore(%dma_wait3A_46 : memref<!tpu.dma_semaphore, #tpu.memory_space<semaphore_mem>>) src(%dma_wait3A_53 : memref<32x12800xf32, #tpu.memory_space<vmem>>) dst(%dma_wait3A_49 : memref<32x12800xf32, #tpu.memory_space<any>>)
        %dma_wait3A_54 = arith.constant 0 : i32
        %dma_wait3A_55 = arith.constant 0 : i32
        %dma_wait3A_56 = tpu.memref_slice %arg8[%dma_wait3A_55] : memref<3x!tpu.dma_semaphore, #tpu.memory_space<semaphore_mem>> -> memref<1x!tpu.dma_semaphore, #tpu.memory_space<semaphore_mem>>
        %dma_wait3A_57 = tpu.memref_squeeze %dma_wait3A_56 : memref<1x!tpu.dma_semaphore, #tpu.memory_space<semaphore_mem>> -> memref<!tpu.dma_semaphore, #tpu.memory_space<semaphore_mem>>
        %dma_wait3A_58 = arith.constant 0 : i32
        %dma_wait3A_59 = arith.constant 0 : i32
        %dma_wait3A_60 = tpu.memref_slice %arg5[%dma_wait3A_58, %dma_wait3A_59] : memref<1024x100000xf32, #tpu.memory_space<any>> -> memref<32x12800xf32, #tpu.memory_space<any>>
        %dma_wait3A_61 = arith.constant 0 : i32
        %dma_wait3A_62 = arith.constant 0 : i32
        %dma_wait3A_63 = tpu.memref_slice %arg6[%dma_wait3A_54, %dma_wait3A_61, %dma_wait3A_62] : memref<3x256x12800xf32, #tpu.memory_space<vmem>> -> memref<1x32x12800xf32, #tpu.memory_space<vmem>>
        %dma_wait3A_64 = tpu.memref_squeeze %dma_wait3A_63 : memref<1x32x12800xf32, #tpu.memory_space<vmem>> -> memref<32x12800xf32, #tpu.memory_space<vmem>>
        tpu.wait_dma2 semaphore(%dma_wait3A_57 : memref<!tpu.dma_semaphore, #tpu.memory_space<semaphore_mem>>) src(%dma_wait3A_64 : memref<32x12800xf32, #tpu.memory_space<vmem>>) dst(%dma_wait3A_60 : memref<32x12800xf32, #tpu.memory_space<any>>)
        %dma_wait3A_65 = arith.constant 0 : i32
        %dma_wait3A_66 = arith.constant 0 : i32
        %dma_wait3A_67 = tpu.memref_slice %arg8[%dma_wait3A_66] : memref<3x!tpu.dma_semaphore, #tpu.memory_space<semaphore_mem>> -> memref<1x!tpu.dma_semaphore, #tpu.memory_space<semaphore_mem>>
        %dma_wait3A_68 = tpu.memref_squeeze %dma_wait3A_67 : memref<1x!tpu.dma_semaphore, #tpu.memory_space<semaphore_mem>> -> memref<!tpu.dma_semaphore, #tpu.memory_space<semaphore_mem>>
        %dma_wait3A_69 = arith.constant 0 : i32
        %dma_wait3A_70 = arith.constant 0 : i32
        %dma_wait3A_71 = tpu.memref_slice %arg5[%dma_wait3A_69, %dma_wait3A_70] : memref<1024x100000xf32, #tpu.memory_space<any>> -> memref<32x12800xf32, #tpu.memory_space<any>>
        %dma_wait3A_72 = arith.constant 0 : i32
        %dma_wait3A_73 = arith.constant 0 : i32
        %dma_wait3A_74 = tpu.memref_slice %arg6[%dma_wait3A_65, %dma_wait3A_72, %dma_wait3A_73] : memref<3x256x12800xf32, #tpu.memory_space<vmem>> -> memref<1x32x12800xf32, #tpu.memory_space<vmem>>
        %dma_wait3A_75 = tpu.memref_squeeze %dma_wait3A_74 : memref<1x32x12800xf32, #tpu.memory_space<vmem>> -> memref<32x12800xf32, #tpu.memory_space<vmem>>
        tpu.wait_dma2 semaphore(%dma_wait3A_68 : memref<!tpu.dma_semaphore, #tpu.memory_space<semaphore_mem>>) src(%dma_wait3A_75 : memref<32x12800xf32, #tpu.memory_space<vmem>>) dst(%dma_wait3A_71 : memref<32x12800xf32, #tpu.memory_space<any>>)
        %dma_wait3A_76 = arith.constant 0 : i32
        %dma_wait3A_77 = arith.constant 0 : i32
        %dma_wait3A_78 = tpu.memref_slice %arg8[%dma_wait3A_77] : memref<3x!tpu.dma_semaphore, #tpu.memory_space<semaphore_mem>> -> memref<1x!tpu.dma_semaphore, #tpu.memory_space<semaphore_mem>>
        %dma_wait3A_79 = tpu.memref_squeeze %dma_wait3A_78 : memref<1x!tpu.dma_semaphore, #tpu.memory_space<semaphore_mem>> -> memref<!tpu.dma_semaphore, #tpu.memory_space<semaphore_mem>>
        %dma_wait3A_80 = arith.constant 0 : i32
        %dma_wait3A_81 = arith.constant 0 : i32
        %dma_wait3A_82 = tpu.memref_slice %arg5[%dma_wait3A_80, %dma_wait3A_81] : memref<1024x100000xf32, #tpu.memory_space<any>> -> memref<32x12800xf32, #tpu.memory_space<any>>
        %dma_wait3A_83 = arith.constant 0 : i32
        %dma_wait3A_84 = arith.constant 0 : i32
        %dma_wait3A_85 = tpu.memref_slice %arg6[%dma_wait3A_76, %dma_wait3A_83, %dma_wait3A_84] : memref<3x256x12800xf32, #tpu.memory_space<vmem>> -> memref<1x32x12800xf32, #tpu.memory_space<vmem>>
        %dma_wait3A_86 = tpu.memref_squeeze %dma_wait3A_85 : memref<1x32x12800xf32, #tpu.memory_space<vmem>> -> memref<32x12800xf32, #tpu.memory_space<vmem>>
        tpu.wait_dma2 semaphore(%dma_wait3A_79 : memref<!tpu.dma_semaphore, #tpu.memory_space<semaphore_mem>>) src(%dma_wait3A_86 : memref<32x12800xf32, #tpu.memory_space<vmem>>) dst(%dma_wait3A_82 : memref<32x12800xf32, #tpu.memory_space<any>>)
        %dma_wait3A_87 = arith.constant 0 : i32
        %dma_wait3A_88 = arith.constant 0 : i32
        %dma_wait3A_89 = tpu.memref_slice %arg8[%dma_wait3A_88] : memref<3x!tpu.dma_semaphore, #tpu.memory_space<semaphore_mem>> -> memref<1x!tpu.dma_semaphore, #tpu.memory_space<semaphore_mem>>
        %dma_wait3A_90 = tpu.memref_squeeze %dma_wait3A_89 : memref<1x!tpu.dma_semaphore, #tpu.memory_space<semaphore_mem>> -> memref<!tpu.dma_semaphore, #tpu.memory_space<semaphore_mem>>
        %dma_wait3A_91 = arith.constant 0 : i32
        %dma_wait3A_92 = arith.constant 0 : i32
        %dma_wait3A_93 = tpu.memref_slice %arg5[%dma_wait3A_91, %dma_wait3A_92] : memref<1024x100000xf32, #tpu.memory_space<any>> -> memref<32x12800xf32, #tpu.memory_space<any>>
        %dma_wait3A_94 = arith.constant 0 : i32
        %dma_wait3A_95 = arith.constant 0 : i32
        %dma_wait3A_96 = tpu.memref_slice %arg6[%dma_wait3A_87, %dma_wait3A_94, %dma_wait3A_95] : memref<3x256x12800xf32, #tpu.memory_space<vmem>> -> memref<1x32x12800xf32, #tpu.memory_space<vmem>>
        %dma_wait3A_97 = tpu.memref_squeeze %dma_wait3A_96 : memref<1x32x12800xf32, #tpu.memory_space<vmem>> -> memref<32x12800xf32, #tpu.memory_space<vmem>>
        tpu.wait_dma2 semaphore(%dma_wait3A_90 : memref<!tpu.dma_semaphore, #tpu.memory_space<semaphore_mem>>) src(%dma_wait3A_97 : memref<32x12800xf32, #tpu.memory_space<vmem>>) dst(%dma_wait3A_93 : memref<32x12800xf32, #tpu.memory_space<any>>)
        %dma_wait3A_98 = arith.constant 0 : i32
        %dma_wait3A_99 = arith.constant 0 : i32
        %dma_wait3A_100 = tpu.memref_slice %arg8[%dma_wait3A_99] : memref<3x!tpu.dma_semaphore, #tpu.memory_space<semaphore_mem>> -> memref<1x!tpu.dma_semaphore, #tpu.memory_space<semaphore_mem>>
        %dma_wait3A_101 = tpu.memref_squeeze %dma_wait3A_100 : memref<1x!tpu.dma_semaphore, #tpu.memory_space<semaphore_mem>> -> memref<!tpu.dma_semaphore, #tpu.memory_space<semaphore_mem>>
        %dma_wait3A_102 = arith.constant 0 : i32
        %dma_wait3A_103 = arith.constant 0 : i32
        %dma_wait3A_104 = tpu.memref_slice %arg5[%dma_wait3A_102, %dma_wait3A_103] : memref<1024x100000xf32, #tpu.memory_space<any>> -> memref<32x12800xf32, #tpu.memory_space<any>>
        %dma_wait3A_105 = arith.constant 0 : i32
        %dma_wait3A_106 = arith.constant 0 : i32
        %dma_wait3A_107 = tpu.memref_slice %arg6[%dma_wait3A_98, %dma_wait3A_105, %dma_wait3A_106] : memref<3x256x12800xf32, #tpu.memory_space<vmem>> -> memref<1x32x12800xf32, #tpu.memory_space<vmem>>
        %dma_wait3A_108 = tpu.memref_squeeze %dma_wait3A_107 : memref<1x32x12800xf32, #tpu.memory_space<vmem>> -> memref<32x12800xf32, #tpu.memory_space<vmem>>
        tpu.wait_dma2 semaphore(%dma_wait3A_101 : memref<!tpu.dma_semaphore, #tpu.memory_space<semaphore_mem>>) src(%dma_wait3A_108 : memref<32x12800xf32, #tpu.memory_space<vmem>>) dst(%dma_wait3A_104 : memref<32x12800xf32, #tpu.memory_space<any>>)
        %dma_wait3A_109 = arith.constant 0 : i32
        %dma_wait3A_110 = arith.constant 0 : i32
        %dma_wait3A_111 = tpu.memref_slice %arg8[%dma_wait3A_110] : memref<3x!tpu.dma_semaphore, #tpu.memory_space<semaphore_mem>> -> memref<1x!tpu.dma_semaphore, #tpu.memory_space<semaphore_mem>>
        %dma_wait3A_112 = tpu.memref_squeeze %dma_wait3A_111 : memref<1x!tpu.dma_semaphore, #tpu.memory_space<semaphore_mem>> -> memref<!tpu.dma_semaphore, #tpu.memory_space<semaphore_mem>>
        %dma_wait3A_113 = arith.constant 0 : i32
        %dma_wait3A_114 = arith.constant 0 : i32
        %dma_wait3A_115 = tpu.memref_slice %arg5[%dma_wait3A_113, %dma_wait3A_114] : memref<1024x100000xf32, #tpu.memory_space<any>> -> memref<32x12800xf32, #tpu.memory_space<any>>
        %dma_wait3A_116 = arith.constant 0 : i32
        %dma_wait3A_117 = arith.constant 0 : i32
        %dma_wait3A_118 = tpu.memref_slice %arg6[%dma_wait3A_109, %dma_wait3A_116, %dma_wait3A_117] : memref<3x256x12800xf32, #tpu.memory_space<vmem>> -> memref<1x32x12800xf32, #tpu.memory_space<vmem>>
        %dma_wait3A_119 = tpu.memref_squeeze %dma_wait3A_118 : memref<1x32x12800xf32, #tpu.memory_space<vmem>> -> memref<32x12800xf32, #tpu.memory_space<vmem>>
        tpu.wait_dma2 semaphore(%dma_wait3A_112 : memref<!tpu.dma_semaphore, #tpu.memory_space<semaphore_mem>>) src(%dma_wait3A_119 : memref<32x12800xf32, #tpu.memory_space<vmem>>) dst(%dma_wait3A_115 : memref<32x12800xf32, #tpu.memory_space<any>>)
        %dma_wait3A_120 = arith.constant 1 : i32
        %dma_wait3A_121 = arith.constant 1 : i32
        %dma_wait3A_122 = tpu.memref_slice %arg8[%dma_wait3A_121] : memref<3x!tpu.dma_semaphore, #tpu.memory_space<semaphore_mem>> -> memref<1x!tpu.dma_semaphore, #tpu.memory_space<semaphore_mem>>
        %dma_wait3A_123 = tpu.memref_squeeze %dma_wait3A_122 : memref<1x!tpu.dma_semaphore, #tpu.memory_space<semaphore_mem>> -> memref<!tpu.dma_semaphore, #tpu.memory_space<semaphore_mem>>
        %dma_wait3A_124 = arith.constant 0 : i32
        %dma_wait3A_125 = arith.constant 0 : i32
        %dma_wait3A_126 = tpu.memref_slice %arg5[%dma_wait3A_124, %dma_wait3A_125] : memref<1024x100000xf32, #tpu.memory_space<any>> -> memref<32x12800xf32, #tpu.memory_space<any>>
        %dma_wait3A_127 = arith.constant 0 : i32
        %dma_wait3A_128 = arith.constant 0 : i32
        %dma_wait3A_129 = tpu.memref_slice %arg6[%dma_wait3A_120, %dma_wait3A_127, %dma_wait3A_128] : memref<3x256x12800xf32, #tpu.memory_space<vmem>> -> memref<1x32x12800xf32, #tpu.memory_space<vmem>>
        %dma_wait3A_130 = tpu.memref_squeeze %dma_wait3A_129 : memref<1x32x12800xf32, #tpu.memory_space<vmem>> -> memref<32x12800xf32, #tpu.memory_space<vmem>>
        tpu.wait_dma2 semaphore(%dma_wait3A_123 : memref<!tpu.dma_semaphore, #tpu.memory_space<semaphore_mem>>) src(%dma_wait3A_130 : memref<32x12800xf32, #tpu.memory_space<vmem>>) dst(%dma_wait3A_126 : memref<32x12800xf32, #tpu.memory_space<any>>)
        %dma_wait3A_131 = arith.constant 1 : i32
        %dma_wait3A_132 = arith.constant 1 : i32
        %dma_wait3A_133 = tpu.memref_slice %arg8[%dma_wait3A_132] : memref<3x!tpu.dma_semaphore, #tpu.memory_space<semaphore_mem>> -> memref<1x!tpu.dma_semaphore, #tpu.memory_space<semaphore_mem>>
        %dma_wait3A_134 = tpu.memref_squeeze %dma_wait3A_133 : memref<1x!tpu.dma_semaphore, #tpu.memory_space<semaphore_mem>> -> memref<!tpu.dma_semaphore, #tpu.memory_space<semaphore_mem>>
        %dma_wait3A_135 = arith.constant 0 : i32
        %dma_wait3A_136 = arith.constant 0 : i32
        %dma_wait3A_137 = tpu.memref_slice %arg5[%dma_wait3A_135, %dma_wait3A_136] : memref<1024x100000xf32, #tpu.memory_space<any>> -> memref<32x12800xf32, #tpu.memory_space<any>>
        %dma_wait3A_138 = arith.constant 0 : i32
        %dma_wait3A_139 = arith.constant 0 : i32
        %dma_wait3A_140 = tpu.memref_slice %arg6[%dma_wait3A_131, %dma_wait3A_138, %dma_wait3A_139] : memref<3x256x12800xf32, #tpu.memory_space<vmem>> -> memref<1x32x12800xf32, #tpu.memory_space<vmem>>
        %dma_wait3A_141 = tpu.memref_squeeze %dma_wait3A_140 : memref<1x32x12800xf32, #tpu.memory_space<vmem>> -> memref<32x12800xf32, #tpu.memory_space<vmem>>
        tpu.wait_dma2 semaphore(%dma_wait3A_134 : memref<!tpu.dma_semaphore, #tpu.memory_space<semaphore_mem>>) src(%dma_wait3A_141 : memref<32x12800xf32, #tpu.memory_space<vmem>>) dst(%dma_wait3A_137 : memref<32x12800xf32, #tpu.memory_space<any>>)
        %dma_wait3A_142 = arith.constant 1 : i32
        %dma_wait3A_143 = arith.constant 1 : i32
        %dma_wait3A_144 = tpu.memref_slice %arg8[%dma_wait3A_143] : memref<3x!tpu.dma_semaphore, #tpu.memory_space<semaphore_mem>> -> memref<1x!tpu.dma_semaphore, #tpu.memory_space<semaphore_mem>>
        %dma_wait3A_145 = tpu.memref_squeeze %dma_wait3A_144 : memref<1x!tpu.dma_semaphore, #tpu.memory_space<semaphore_mem>> -> memref<!tpu.dma_semaphore, #tpu.memory_space<semaphore_mem>>
        %dma_wait3A_146 = arith.constant 0 : i32
        %dma_wait3A_147 = arith.constant 0 : i32
        %dma_wait3A_148 = tpu.memref_slice %arg5[%dma_wait3A_146, %dma_wait3A_147] : memref<1024x100000xf32, #tpu.memory_space<any>> -> memref<32x12800xf32, #tpu.memory_space<any>>
        %dma_wait3A_149 = arith.constant 0 : i32
        %dma_wait3A_150 = arith.constant 0 : i32
        %dma_wait3A_151 = tpu.memref_slice %arg6[%dma_wait3A_142, %dma_wait3A_149, %dma_wait3A_150] : memref<3x256x12800xf32, #tpu.memory_space<vmem>> -> memref<1x32x12800xf32, #tpu.memory_space<vmem>>
        %dma_wait3A_152 = tpu.memref_squeeze %dma_wait3A_151 : memref<1x32x12800xf32, #tpu.memory_space<vmem>> -> memref<32x12800xf32, #tpu.memory_space<vmem>>
        tpu.wait_dma2 semaphore(%dma_wait3A_145 : memref<!tpu.dma_semaphore, #tpu.memory_space<semaphore_mem>>) src(%dma_wait3A_152 : memref<32x12800xf32, #tpu.memory_space<vmem>>) dst(%dma_wait3A_148 : memref<32x12800xf32, #tpu.memory_space<any>>)
        %dma_wait3A_153 = arith.constant 1 : i32
        %dma_wait3A_154 = arith.constant 1 : i32
        %dma_wait3A_155 = tpu.memref_slice %arg8[%dma_wait3A_154] : memref<3x!tpu.dma_semaphore, #tpu.memory_space<semaphore_mem>> -> memref<1x!tpu.dma_semaphore, #tpu.memory_space<semaphore_mem>>
        %dma_wait3A_156 = tpu.memref_squeeze %dma_wait3A_155 : memref<1x!tpu.dma_semaphore, #tpu.memory_space<semaphore_mem>> -> memref<!tpu.dma_semaphore, #tpu.memory_space<semaphore_mem>>
        %dma_wait3A_157 = arith.constant 0 : i32
        %dma_wait3A_158 = arith.constant 0 : i32
        %dma_wait3A_159 = tpu.memref_slice %arg5[%dma_wait3A_157, %dma_wait3A_158] : memref<1024x100000xf32, #tpu.memory_space<any>> -> memref<32x12800xf32, #tpu.memory_space<any>>
        %dma_wait3A_160 = arith.constant 0 : i32
        %dma_wait3A_161 = arith.constant 0 : i32
        %dma_wait3A_162 = tpu.memref_slice %arg6[%dma_wait3A_153, %dma_wait3A_160, %dma_wait3A_161] : memref<3x256x12800xf32, #tpu.memory_space<vmem>> -> memref<1x32x12800xf32, #tpu.memory_space<vmem>>
        %dma_wait3A_163 = tpu.memref_squeeze %dma_wait3A_162 : memref<1x32x12800xf32, #tpu.memory_space<vmem>> -> memref<32x12800xf32, #tpu.memory_space<vmem>>
        tpu.wait_dma2 semaphore(%dma_wait3A_156 : memref<!tpu.dma_semaphore, #tpu.memory_space<semaphore_mem>>) src(%dma_wait3A_163 : memref<32x12800xf32, #tpu.memory_space<vmem>>) dst(%dma_wait3A_159 : memref<32x12800xf32, #tpu.memory_space<any>>)
        %dma_wait3A_164 = arith.constant 1 : i32
        %dma_wait3A_165 = arith.constant 1 : i32
        %dma_wait3A_166 = tpu.memref_slice %arg8[%dma_wait3A_165] : memref<3x!tpu.dma_semaphore, #tpu.memory_space<semaphore_mem>> -> memref<1x!tpu.dma_semaphore, #tpu.memory_space<semaphore_mem>>
        %dma_wait3A_167 = tpu.memref_squeeze %dma_wait3A_166 : memref<1x!tpu.dma_semaphore, #tpu.memory_space<semaphore_mem>> -> memref<!tpu.dma_semaphore, #tpu.memory_space<semaphore_mem>>
        %dma_wait3A_168 = arith.constant 0 : i32
        %dma_wait3A_169 = arith.constant 0 : i32
        %dma_wait3A_170 = tpu.memref_slice %arg5[%dma_wait3A_168, %dma_wait3A_169] : memref<1024x100000xf32, #tpu.memory_space<any>> -> memref<32x12800xf32, #tpu.memory_space<any>>
        %dma_wait3A_171 = arith.constant 0 : i32
        %dma_wait3A_172 = arith.constant 0 : i32
        %dma_wait3A_173 = tpu.memref_slice %arg6[%dma_wait3A_164, %dma_wait3A_171, %dma_wait3A_172] : memref<3x256x12800xf32, #tpu.memory_space<vmem>> -> memref<1x32x12800xf32, #tpu.memory_space<vmem>>
        %dma_wait3A_174 = tpu.memref_squeeze %dma_wait3A_173 : memref<1x32x12800xf32, #tpu.memory_space<vmem>> -> memref<32x12800xf32, #tpu.memory_space<vmem>>
        tpu.wait_dma2 semaphore(%dma_wait3A_167 : memref<!tpu.dma_semaphore, #tpu.memory_space<semaphore_mem>>) src(%dma_wait3A_174 : memref<32x12800xf32, #tpu.memory_space<vmem>>) dst(%dma_wait3A_170 : memref<32x12800xf32, #tpu.memory_space<any>>)
        %dma_wait3A_175 = arith.constant 1 : i32
        %dma_wait3A_176 = arith.constant 1 : i32
        %dma_wait3A_177 = tpu.memref_slice %arg8[%dma_wait3A_176] : memref<3x!tpu.dma_semaphore, #tpu.memory_space<semaphore_mem>> -> memref<1x!tpu.dma_semaphore, #tpu.memory_space<semaphore_mem>>
        %dma_wait3A_178 = tpu.memref_squeeze %dma_wait3A_177 : memref<1x!tpu.dma_semaphore, #tpu.memory_space<semaphore_mem>> -> memref<!tpu.dma_semaphore, #tpu.memory_space<semaphore_mem>>
        %dma_wait3A_179 = arith.constant 0 : i32
        %dma_wait3A_180 = arith.constant 0 : i32
        %dma_wait3A_181 = tpu.memref_slice %arg5[%dma_wait3A_179, %dma_wait3A_180] : memref<1024x100000xf32, #tpu.memory_space<any>> -> memref<32x12800xf32, #tpu.memory_space<any>>
        %dma_wait3A_182 = arith.constant 0 : i32
        %dma_wait3A_183 = arith.constant 0 : i32
        %dma_wait3A_184 = tpu.memref_slice %arg6[%dma_wait3A_175, %dma_wait3A_182, %dma_wait3A_183] : memref<3x256x12800xf32, #tpu.memory_space<vmem>> -> memref<1x32x12800xf32, #tpu.memory_space<vmem>>
        %dma_wait3A_185 = tpu.memref_squeeze %dma_wait3A_184 : memref<1x32x12800xf32, #tpu.memory_space<vmem>> -> memref<32x12800xf32, #tpu.memory_space<vmem>>
        tpu.wait_dma2 semaphore(%dma_wait3A_178 : memref<!tpu.dma_semaphore, #tpu.memory_space<semaphore_mem>>) src(%dma_wait3A_185 : memref<32x12800xf32, #tpu.memory_space<vmem>>) dst(%dma_wait3A_181 : memref<32x12800xf32, #tpu.memory_space<any>>)
        %dma_wait3A_186 = arith.constant 1 : i32
        %dma_wait3A_187 = arith.constant 1 : i32
        %dma_wait3A_188 = tpu.memref_slice %arg8[%dma_wait3A_187] : memref<3x!tpu.dma_semaphore, #tpu.memory_space<semaphore_mem>> -> memref<1x!tpu.dma_semaphore, #tpu.memory_space<semaphore_mem>>
        %dma_wait3A_189 = tpu.memref_squeeze %dma_wait3A_188 : memref<1x!tpu.dma_semaphore, #tpu.memory_space<semaphore_mem>> -> memref<!tpu.dma_semaphore, #tpu.memory_space<semaphore_mem>>
        %dma_wait3A_190 = arith.constant 0 : i32
        %dma_wait3A_191 = arith.constant 0 : i32
        %dma_wait3A_192 = tpu.memref_slice %arg5[%dma_wait3A_190, %dma_wait3A_191] : memref<1024x100000xf32, #tpu.memory_space<any>> -> memref<32x12800xf32, #tpu.memory_space<any>>
        %dma_wait3A_193 = arith.constant 0 : i32
        %dma_wait3A_194 = arith.constant 0 : i32
        %dma_wait3A_195 = tpu.memref_slice %arg6[%dma_wait3A_186, %dma_wait3A_193, %dma_wait3A_194] : memref<3x256x12800xf32, #tpu.memory_space<vmem>> -> memref<1x32x12800xf32, #tpu.memory_space<vmem>>
        %dma_wait3A_196 = tpu.memref_squeeze %dma_wait3A_195 : memref<1x32x12800xf32, #tpu.memory_space<vmem>> -> memref<32x12800xf32, #tpu.memory_space<vmem>>
        tpu.wait_dma2 semaphore(%dma_wait3A_189 : memref<!tpu.dma_semaphore, #tpu.memory_space<semaphore_mem>>) src(%dma_wait3A_196 : memref<32x12800xf32, #tpu.memory_space<vmem>>) dst(%dma_wait3A_192 : memref<32x12800xf32, #tpu.memory_space<any>>)
        %dma_wait3A_197 = arith.constant 1 : i32
        %dma_wait3A_198 = arith.constant 1 : i32
        %dma_wait3A_199 = tpu.memref_slice %arg8[%dma_wait3A_198] : memref<3x!tpu.dma_semaphore, #tpu.memory_space<semaphore_mem>> -> memref<1x!tpu.dma_semaphore, #tpu.memory_space<semaphore_mem>>
        %dma_wait3A_200 = tpu.memref_squeeze %dma_wait3A_199 : memref<1x!tpu.dma_semaphore, #tpu.memory_space<semaphore_mem>> -> memref<!tpu.dma_semaphore, #tpu.memory_space<semaphore_mem>>
        %dma_wait3A_201 = arith.constant 0 : i32
        %dma_wait3A_202 = arith.constant 0 : i32
        %dma_wait3A_203 = tpu.memref_slice %arg5[%dma_wait3A_201, %dma_wait3A_202] : memref<1024x100000xf32, #tpu.memory_space<any>> -> memref<32x12800xf32, #tpu.memory_space<any>>
        %dma_wait3A_204 = arith.constant 0 : i32
        %dma_wait3A_205 = arith.constant 0 : i32
        %dma_wait3A_206 = tpu.memref_slice %arg6[%dma_wait3A_197, %dma_wait3A_204, %dma_wait3A_205] : memref<3x256x12800xf32, #tpu.memory_space<vmem>> -> memref<1x32x12800xf32, #tpu.memory_space<vmem>>
        %dma_wait3A_207 = tpu.memref_squeeze %dma_wait3A_206 : memref<1x32x12800xf32, #tpu.memory_space<vmem>> -> memref<32x12800xf32, #tpu.memory_space<vmem>>
        tpu.wait_dma2 semaphore(%dma_wait3A_200 : memref<!tpu.dma_semaphore, #tpu.memory_space<semaphore_mem>>) src(%dma_wait3A_207 : memref<32x12800xf32, #tpu.memory_space<vmem>>) dst(%dma_wait3A_203 : memref<32x12800xf32, #tpu.memory_space<any>>)
        %dma_wait3A_208 = arith.constant 2 : i32
        %dma_wait3A_209 = arith.constant 2 : i32
        %dma_wait3A_210 = tpu.memref_slice %arg8[%dma_wait3A_209] : memref<3x!tpu.dma_semaphore, #tpu.memory_space<semaphore_mem>> -> memref<1x!tpu.dma_semaphore, #tpu.memory_space<semaphore_mem>>
        %dma_wait3A_211 = tpu.memref_squeeze %dma_wait3A_210 : memref<1x!tpu.dma_semaphore, #tpu.memory_space<semaphore_mem>> -> memref<!tpu.dma_semaphore, #tpu.memory_space<semaphore_mem>>
        %dma_wait3A_212 = arith.constant 0 : i32
        %dma_wait3A_213 = arith.constant 0 : i32
        %dma_wait3A_214 = tpu.memref_slice %arg5[%dma_wait3A_212, %dma_wait3A_213] : memref<1024x100000xf32, #tpu.memory_space<any>> -> memref<32x12800xf32, #tpu.memory_space<any>>
        %dma_wait3A_215 = arith.constant 0 : i32
        %dma_wait3A_216 = arith.constant 0 : i32
        %dma_wait3A_217 = tpu.memref_slice %arg6[%dma_wait3A_208, %dma_wait3A_215, %dma_wait3A_216] : memref<3x256x12800xf32, #tpu.memory_space<vmem>> -> memref<1x32x12800xf32, #tpu.memory_space<vmem>>
        %dma_wait3A_218 = tpu.memref_squeeze %dma_wait3A_217 : memref<1x32x12800xf32, #tpu.memory_space<vmem>> -> memref<32x12800xf32, #tpu.memory_space<vmem>>
        tpu.wait_dma2 semaphore(%dma_wait3A_211 : memref<!tpu.dma_semaphore, #tpu.memory_space<semaphore_mem>>) src(%dma_wait3A_218 : memref<32x12800xf32, #tpu.memory_space<vmem>>) dst(%dma_wait3A_214 : memref<32x12800xf32, #tpu.memory_space<any>>)
        %dma_wait3A_219 = arith.constant 2 : i32
        %dma_wait3A_220 = arith.constant 2 : i32
        %dma_wait3A_221 = tpu.memref_slice %arg8[%dma_wait3A_220] : memref<3x!tpu.dma_semaphore, #tpu.memory_space<semaphore_mem>> -> memref<1x!tpu.dma_semaphore, #tpu.memory_space<semaphore_mem>>
        %dma_wait3A_222 = tpu.memref_squeeze %dma_wait3A_221 : memref<1x!tpu.dma_semaphore, #tpu.memory_space<semaphore_mem>> -> memref<!tpu.dma_semaphore, #tpu.memory_space<semaphore_mem>>
        %dma_wait3A_223 = arith.constant 0 : i32
        %dma_wait3A_224 = arith.constant 0 : i32
        %dma_wait3A_225 = tpu.memref_slice %arg5[%dma_wait3A_223, %dma_wait3A_224] : memref<1024x100000xf32, #tpu.memory_space<any>> -> memref<32x12800xf32, #tpu.memory_space<any>>
        %dma_wait3A_226 = arith.constant 0 : i32
        %dma_wait3A_227 = arith.constant 0 : i32
        %dma_wait3A_228 = tpu.memref_slice %arg6[%dma_wait3A_219, %dma_wait3A_226, %dma_wait3A_227] : memref<3x256x12800xf32, #tpu.memory_space<vmem>> -> memref<1x32x12800xf32, #tpu.memory_space<vmem>>
        %dma_wait3A_229 = tpu.memref_squeeze %dma_wait3A_228 : memref<1x32x12800xf32, #tpu.memory_space<vmem>> -> memref<32x12800xf32, #tpu.memory_space<vmem>>
        tpu.wait_dma2 semaphore(%dma_wait3A_222 : memref<!tpu.dma_semaphore, #tpu.memory_space<semaphore_mem>>) src(%dma_wait3A_229 : memref<32x12800xf32, #tpu.memory_space<vmem>>) dst(%dma_wait3A_225 : memref<32x12800xf32, #tpu.memory_space<any>>)
        %dma_wait3A_230 = arith.constant 2 : i32
        %dma_wait3A_231 = arith.constant 2 : i32
        %dma_wait3A_232 = tpu.memref_slice %arg8[%dma_wait3A_231] : memref<3x!tpu.dma_semaphore, #tpu.memory_space<semaphore_mem>> -> memref<1x!tpu.dma_semaphore, #tpu.memory_space<semaphore_mem>>
        %dma_wait3A_233 = tpu.memref_squeeze %dma_wait3A_232 : memref<1x!tpu.dma_semaphore, #tpu.memory_space<semaphore_mem>> -> memref<!tpu.dma_semaphore, #tpu.memory_space<semaphore_mem>>
        %dma_wait3A_234 = arith.constant 0 : i32
        %dma_wait3A_235 = arith.constant 0 : i32
        %dma_wait3A_236 = tpu.memref_slice %arg5[%dma_wait3A_234, %dma_wait3A_235] : memref<1024x100000xf32, #tpu.memory_space<any>> -> memref<32x12800xf32, #tpu.memory_space<any>>
        %dma_wait3A_237 = arith.constant 0 : i32
        %dma_wait3A_238 = arith.constant 0 : i32
        %dma_wait3A_239 = tpu.memref_slice %arg6[%dma_wait3A_230, %dma_wait3A_237, %dma_wait3A_238] : memref<3x256x12800xf32, #tpu.memory_space<vmem>> -> memref<1x32x12800xf32, #tpu.memory_space<vmem>>
        %dma_wait3A_240 = tpu.memref_squeeze %dma_wait3A_239 : memref<1x32x12800xf32, #tpu.memory_space<vmem>> -> memref<32x12800xf32, #tpu.memory_space<vmem>>
        tpu.wait_dma2 semaphore(%dma_wait3A_233 : memref<!tpu.dma_semaphore, #tpu.memory_space<semaphore_mem>>) src(%dma_wait3A_240 : memref<32x12800xf32, #tpu.memory_space<vmem>>) dst(%dma_wait3A_236 : memref<32x12800xf32, #tpu.memory_space<any>>)
        %dma_wait3A_241 = arith.constant 2 : i32
        %dma_wait3A_242 = arith.constant 2 : i32
        %dma_wait3A_243 = tpu.memref_slice %arg8[%dma_wait3A_242] : memref<3x!tpu.dma_semaphore, #tpu.memory_space<semaphore_mem>> -> memref<1x!tpu.dma_semaphore, #tpu.memory_space<semaphore_mem>>
        %dma_wait3A_244 = tpu.memref_squeeze %dma_wait3A_243 : memref<1x!tpu.dma_semaphore, #tpu.memory_space<semaphore_mem>> -> memref<!tpu.dma_semaphore, #tpu.memory_space<semaphore_mem>>
        %dma_wait3A_245 = arith.constant 0 : i32
        %dma_wait3A_246 = arith.constant 0 : i32
        %dma_wait3A_247 = tpu.memref_slice %arg5[%dma_wait3A_245, %dma_wait3A_246] : memref<1024x100000xf32, #tpu.memory_space<any>> -> memref<32x12800xf32, #tpu.memory_space<any>>
        %dma_wait3A_248 = arith.constant 0 : i32
        %dma_wait3A_249 = arith.constant 0 : i32
        %dma_wait3A_250 = tpu.memref_slice %arg6[%dma_wait3A_241, %dma_wait3A_248, %dma_wait3A_249] : memref<3x256x12800xf32, #tpu.memory_space<vmem>> -> memref<1x32x12800xf32, #tpu.memory_space<vmem>>
        %dma_wait3A_251 = tpu.memref_squeeze %dma_wait3A_250 : memref<1x32x12800xf32, #tpu.memory_space<vmem>> -> memref<32x12800xf32, #tpu.memory_space<vmem>>
        tpu.wait_dma2 semaphore(%dma_wait3A_244 : memref<!tpu.dma_semaphore, #tpu.memory_space<semaphore_mem>>) src(%dma_wait3A_251 : memref<32x12800xf32, #tpu.memory_space<vmem>>) dst(%dma_wait3A_247 : memref<32x12800xf32, #tpu.memory_space<any>>)
        %dma_wait3A_252 = arith.constant 2 : i32
        %dma_wait3A_253 = arith.constant 2 : i32
        %dma_wait3A_254 = tpu.memref_slice %arg8[%dma_wait3A_253] : memref<3x!tpu.dma_semaphore, #tpu.memory_space<semaphore_mem>> -> memref<1x!tpu.dma_semaphore, #tpu.memory_space<semaphore_mem>>
        %dma_wait3A_255 = tpu.memref_squeeze %dma_wait3A_254 : memref<1x!tpu.dma_semaphore, #tpu.memory_space<semaphore_mem>> -> memref<!tpu.dma_semaphore, #tpu.memory_space<semaphore_mem>>
        %dma_wait3A_256 = arith.constant 0 : i32
        %dma_wait3A_257 = arith.constant 0 : i32
        %dma_wait3A_258 = tpu.memref_slice %arg5[%dma_wait3A_256, %dma_wait3A_257] : memref<1024x100000xf32, #tpu.memory_space<any>> -> memref<32x12800xf32, #tpu.memory_space<any>>
        %dma_wait3A_259 = arith.constant 0 : i32
        %dma_wait3A_260 = arith.constant 0 : i32
        %dma_wait3A_261 = tpu.memref_slice %arg6[%dma_wait3A_252, %dma_wait3A_259, %dma_wait3A_260] : memref<3x256x12800xf32, #tpu.memory_space<vmem>> -> memref<1x32x12800xf32, #tpu.memory_space<vmem>>
        %dma_wait3A_262 = tpu.memref_squeeze %dma_wait3A_261 : memref<1x32x12800xf32, #tpu.memory_space<vmem>> -> memref<32x12800xf32, #tpu.memory_space<vmem>>
        tpu.wait_dma2 semaphore(%dma_wait3A_255 : memref<!tpu.dma_semaphore, #tpu.memory_space<semaphore_mem>>) src(%dma_wait3A_262 : memref<32x12800xf32, #tpu.memory_space<vmem>>) dst(%dma_wait3A_258 : memref<32x12800xf32, #tpu.memory_space<any>>)
        %dma_wait3A_263 = arith.constant 2 : i32
        %dma_wait3A_264 = arith.constant 2 : i32
        %dma_wait3A_265 = tpu.memref_slice %arg8[%dma_wait3A_264] : memref<3x!tpu.dma_semaphore, #tpu.memory_space<semaphore_mem>> -> memref<1x!tpu.dma_semaphore, #tpu.memory_space<semaphore_mem>>
        %dma_wait3A_266 = tpu.memref_squeeze %dma_wait3A_265 : memref<1x!tpu.dma_semaphore, #tpu.memory_space<semaphore_mem>> -> memref<!tpu.dma_semaphore, #tpu.memory_space<semaphore_mem>>
        %dma_wait3A_267 = arith.constant 0 : i32
        %dma_wait3A_268 = arith.constant 0 : i32
        %dma_wait3A_269 = tpu.memref_slice %arg5[%dma_wait3A_267, %dma_wait3A_268] : memref<1024x100000xf32, #tpu.memory_space<any>> -> memref<32x12800xf32, #tpu.memory_space<any>>
        %dma_wait3A_270 = arith.constant 0 : i32
        %dma_wait3A_271 = arith.constant 0 : i32
        %dma_wait3A_272 = tpu.memref_slice %arg6[%dma_wait3A_263, %dma_wait3A_270, %dma_wait3A_271] : memref<3x256x12800xf32, #tpu.memory_space<vmem>> -> memref<1x32x12800xf32, #tpu.memory_space<vmem>>
        %dma_wait3A_273 = tpu.memref_squeeze %dma_wait3A_272 : memref<1x32x12800xf32, #tpu.memory_space<vmem>> -> memref<32x12800xf32, #tpu.memory_space<vmem>>
        tpu.wait_dma2 semaphore(%dma_wait3A_266 : memref<!tpu.dma_semaphore, #tpu.memory_space<semaphore_mem>>) src(%dma_wait3A_273 : memref<32x12800xf32, #tpu.memory_space<vmem>>) dst(%dma_wait3A_269 : memref<32x12800xf32, #tpu.memory_space<any>>)
        %dma_wait3A_274 = arith.constant 2 : i32
        %dma_wait3A_275 = arith.constant 2 : i32
        %dma_wait3A_276 = tpu.memref_slice %arg8[%dma_wait3A_275] : memref<3x!tpu.dma_semaphore, #tpu.memory_space<semaphore_mem>> -> memref<1x!tpu.dma_semaphore, #tpu.memory_space<semaphore_mem>>
        %dma_wait3A_277 = tpu.memref_squeeze %dma_wait3A_276 : memref<1x!tpu.dma_semaphore, #tpu.memory_space<semaphore_mem>> -> memref<!tpu.dma_semaphore, #tpu.memory_space<semaphore_mem>>
        %dma_wait3A_278 = arith.constant 0 : i32
        %dma_wait3A_279 = arith.constant 0 : i32
        %dma_wait3A_280 = tpu.memref_slice %arg5[%dma_wait3A_278, %dma_wait3A_279] : memref<1024x100000xf32, #tpu.memory_space<any>> -> memref<32x12800xf32, #tpu.memory_space<any>>
        %dma_wait3A_281 = arith.constant 0 : i32
        %dma_wait3A_282 = arith.constant 0 : i32
        %dma_wait3A_283 = tpu.memref_slice %arg6[%dma_wait3A_274, %dma_wait3A_281, %dma_wait3A_282] : memref<3x256x12800xf32, #tpu.memory_space<vmem>> -> memref<1x32x12800xf32, #tpu.memory_space<vmem>>
        %dma_wait3A_284 = tpu.memref_squeeze %dma_wait3A_283 : memref<1x32x12800xf32, #tpu.memory_space<vmem>> -> memref<32x12800xf32, #tpu.memory_space<vmem>>
        tpu.wait_dma2 semaphore(%dma_wait3A_277 : memref<!tpu.dma_semaphore, #tpu.memory_space<semaphore_mem>>) src(%dma_wait3A_284 : memref<32x12800xf32, #tpu.memory_space<vmem>>) dst(%dma_wait3A_280 : memref<32x12800xf32, #tpu.memory_space<any>>)
        %dma_wait3A_285 = arith.constant 2 : i32
        %dma_wait3A_286 = arith.constant 2 : i32
        %dma_wait3A_287 = tpu.memref_slice %arg8[%dma_wait3A_286] : memref<3x!tpu.dma_semaphore, #tpu.memory_space<semaphore_mem>> -> memref<1x!tpu.dma_semaphore, #tpu.memory_space<semaphore_mem>>
        %dma_wait3A_288 = tpu.memref_squeeze %dma_wait3A_287 : memref<1x!tpu.dma_semaphore, #tpu.memory_space<semaphore_mem>> -> memref<!tpu.dma_semaphore, #tpu.memory_space<semaphore_mem>>
        %dma_wait3A_289 = arith.constant 0 : i32
        %dma_wait3A_290 = arith.constant 0 : i32
        %dma_wait3A_291 = tpu.memref_slice %arg5[%dma_wait3A_289, %dma_wait3A_290] : memref<1024x100000xf32, #tpu.memory_space<any>> -> memref<32x12800xf32, #tpu.memory_space<any>>
        %dma_wait3A_292 = arith.constant 0 : i32
        %dma_wait3A_293 = arith.constant 0 : i32
        %dma_wait3A_294 = tpu.memref_slice %arg6[%dma_wait3A_285, %dma_wait3A_292, %dma_wait3A_293] : memref<3x256x12800xf32, #tpu.memory_space<vmem>> -> memref<1x32x12800xf32, #tpu.memory_space<vmem>>
        %dma_wait3A_295 = tpu.memref_squeeze %dma_wait3A_294 : memref<1x32x12800xf32, #tpu.memory_space<vmem>> -> memref<32x12800xf32, #tpu.memory_space<vmem>>
        tpu.wait_dma2 semaphore(%dma_wait3A_288 : memref<!tpu.dma_semaphore, #tpu.memory_space<semaphore_mem>>) src(%dma_wait3A_295 : memref<32x12800xf32, #tpu.memory_space<vmem>>) dst(%dma_wait3A_291 : memref<32x12800xf32, #tpu.memory_space<any>>)
        %dma_wait3A_296 = arith.constant 0 : i32
        %dma_wait3A_297 = arith.constant 89600 : i32
        %dma_wait3A_298 = tpu.memref_slice %arg5[%dma_wait3A_296, %dma_wait3A_297] : memref<1024x100000xf32, #tpu.memory_space<any>> -> memref<256x10400xf32, #tpu.memory_space<any>>
        tpu.wait_dma2 semaphore(%arg9 : memref<!tpu.dma_semaphore, #tpu.memory_space<semaphore_mem>>) src(%arg7 : memref<256x10400xf32, #tpu.memory_space<vmem>>) dst(%dma_wait3A_298 : memref<256x10400xf32, #tpu.memory_space<any>>)
      } else {
      }
    } else {
    }
    return
  }
  func.func @transform_0(%arg0: i32, %arg1: i32) -> (i32, i32) {
    %c0_i32 = arith.constant 0 : i32
    %c0_i32_0 = arith.constant 0 : i32
    return %arg0, %c0_i32 : i32, i32
  }
  func.func @transform_1(%arg0: i32, %arg1: i32) -> (i32, i32) {
    %c0_i32 = arith.constant 0 : i32
    %c0_i32_0 = arith.constant 0 : i32
    return %c0_i32, %arg1 : i32, i32
  }
  func.func @transform_2(%arg0: i32, %arg1: i32) -> (i32, i32) {
    %c0_i32 = arith.constant 0 : i32
    %c0_i32_0 = arith.constant 0 : i32
    return %c0_i32, %arg1 : i32, i32
  }
}

</mosaic_0001>

<sc_bundles>
// kernel: kernel.4.cloned.1.call-start
scs
__scs_entry_jumppad:
0x0: {  	(pc) =	sbr.rel $0x88, $3  }
0x1: {  	(tag) =	ssettag $0x0;
	lr =	simm.s32 $0x1  }
0x2: {  	[smem:$0x3F9D] =	sst lr;
	_ =	strace $0xD0000000  }
0x3: {  	_ = 	snop  }
0x4: {  	_ = 	snop  }
0x5: {  	_ = 	snop  }
0x6: {  	_ = 	snop  }
0x7: {  	_ = 	snop  }
__scs_overlays_trampoline_lowered:
0x8: {  	[smem:$0x3FAC] =	sst s0  }
0x9: {  	[smem:$0x3FAD] =	sst s1  }
0xa: {  	[smem:$0x3FAE] =	sst s2  }
0xb: {  	[smem:$0x3FAF] =	sst s3  }
0xc: {  	[smem:$0x3FB0] =	sst s4  }
0xd: {  	[smem:$0x3FB1] =	sst s5  }
0xe: {  	[smem:$0x3FB2] =	sst s6  }
0xf: {  	[smem:$0x3FB3] =	sst s7  }
0x10: {  	[smem:$0x3FB4] =	sst s8  }
0x11: {  	[smem:$0x3FB5] =	sst s9;
	s0 =	simm.s32 @!p0 $0x0  }
0x12: {  	s1 =	sld [smem:$0x3F9B];
	s0 =	simm.s32 @p0 $0x1  }
0x13: {  	[smem:$0x3FB6] =	sst s0;
	s0 =	simm.s32 @!p1 $0x0  }
0x14: {  	s2 =	sld [smem:$0x3F9A];
	s0 =	simm.s32 @p1 $0x1  }
0x15: {  	[smem:$0x3FB7] =	sst s0;
	s0 =	simm.s32 @!p2 $0x0  }
0x16: {  	s3 =	sld [smem:$0x3FDB];
	s0 =	simm.s32 @p2 $0x1  }
0x17: {  	s4 =	simm.s32 $0x1BF5;
	[smem:$0x3FB9] =	sst s0  }
0x18: {  	s0 =	sld [smem:$0x3F9C];
	_ =	swait.ge [sflag:s4], $0x0  }
0x19: {  	s7 =	sld [smem:$0x3F9D]  }
0x1a: {  	s8 =	sadd.s32 $0xFFFFE003, lr  }
0x1b: {  	s9 =	sadd.s32 $0xFFFFFEF7, lr;
	s5 =	simm.s32 $0xFFFFFFFF;
	p2 =	slt.u32 s8, $0xFFFFF086  }
0x1c: {  	p1 =	slt.u32 s9, $0xF7A;
	s5 =	simm.s32 @!p2 $0x0  }
0x1d: {  	s5 =	simm.s32 @p1 $0x1;
	p0 =	seq.s32 s7, s2  }
0x1e: {  	s7 =	smul.u32 @!p0 $0xF7A, s2;
	p2 =	seq.s32 @!p0 s5, $0x0  }
0x1f: {  	s9 =	smul.u32 $0xF7A, s1;
	s8 =	simm.s32 @!p0 $0x1BF5;
	p2 =	por !p2, p0  }
0x20: {  	[sflag:s8] =	ssyncset.s32 @!p0 $0xFFFFF086;
	s6 =	sadd.s32 @!p0 s3, s7;
	s7 =	simm.s32 @!p0 $0x108  }
0x21: {  	s3 =	sadd.s32 s3, s9;
	s6 =	sadd.s32 @!p0 $0x88, s6;
	s7 =	simm.s32 @p2 $0x1082  }
0x22: {  	[simem:s7], [sflag:s8] =	dma.local @!p0 [hbm:s6], $0xF7A  }
0x23: {  	s9 =	sor.u32 $0xD0000000, s2;
	s6 =	simm.s32 $0x108;
	_ =	swait.ge @!p0 [sflag:s8], $0x0  }
0x24: {  	s3 =	sadd.s32 $0x88, s3;
	s6 =	simm.s32 @!p1 $0x1082;
	[sflag:s4] =	ssyncset.s32 $0xFFFFF086  }
0x25: {  	[simem:s6], [sflag:s4] =	dma.local [hbm:s3], $0xF7A  }
0x26: {  	[smem:$0x3F9D] =	sst s1;
	(tag) =	ssettag s2;
	_ =	strace s9  }
0x27: {  	s1 =	sld [smem:$0x3FAD]  }
0x28: {  	s2 =	sld [smem:$0x3FAE]  }
0x29: {  	s4 =	sld [smem:$0x3FB0]  }
0x2a: {  	p0 =	seq.s32 s5, $0x0;
	s5 =	sld [smem:$0x3FB1]  }
0x2b: {  	s6 =	sld [smem:$0x3FB2]  }
0x2c: {  	s7 =	sld [smem:$0x3FB3]  }
0x2d: {  	s3 =	simm.s32 $0x108;
	s8 =	sld [smem:$0x3FB4]  }
0x2e: {  	s3 =	simm.s32 @!p0 $0x1082;
	s9 =	sld [smem:$0x3FB5]  }
0x2f: {  	lr =	sadd.s32 s0, s3;
	s0 =	sld [smem:$0x3FAC]  }
0x30: {  	s3 =	sld [smem:$0x3FAF]  }
0x31: {  	[smem:$0x3FB8] =	sst s10  }
0x32: {  	s10 =	sld [smem:$0x3FB6];
	_ =	sdelay $0x3  }
0x33: {  	p0 =	seq.s32 s10, $0x1;
	s10 =	sld [smem:$0x3FB8];
	_ =	sdelay $0x3  }
0x34: {  	[smem:$0x3FB8] =	sst s10  }
0x35: {  	s10 =	sld [smem:$0x3FB7];
	_ =	sdelay $0x3  }
0x36: {  	p1 =	seq.s32 s10, $0x1;
	s10 =	sld [smem:$0x3FB8];
	_ =	sdelay $0x3  }
0x37: {  	[smem:$0x3FB8] =	sst s10  }
0x38: {  	s10 =	sld [smem:$0x3FB9]  }
0x39: {  	_ = 	snop;
	(pc) =	sbr.ind lr, $3  }
0x3a: {  	_ = 	snop  }
0x3b: {  	_ = 	snop  }
0x3c: {  	p2 =	seq.s32 s10, $0x1;
	s10 =	sld [smem:$0x3FB8]  }
0x3d: {  	_ =	shalt  }
0x3e: {  	_ =	shalt  }
0x3f: {  	_ =	shalt  }
0x40: {  	_ =	shalt  }
0x41: {  	_ =	shalt  }
0x42: {  	_ =	shalt  }
0x43: {  	_ =	shalt  }
0x44: {  	_ =	shalt  }
0x45: {  	_ =	shalt  }
0x46: {  	_ =	shalt  }
0x47: {  	_ =	shalt  }
0x48: {  	_ =	shalt  }
0x49: {  	_ =	shalt  }
0x4a: {  	_ =	shalt  }
0x4b: {  	_ =	shalt  }
0x4c: {  	_ =	shalt  }
0x4d: {  	_ =	shalt  }
0x4e: {  	_ =	shalt  }
0x4f: {  	_ =	shalt  }
0x50: {  	_ =	shalt  }
0x51: {  	_ =	shalt  }
0x52: {  	_ =	shalt  }
0x53: {  	_ =	shalt  }
0x54: {  	_ =	shalt  }
0x55: {  	_ =	shalt  }
0x56: {  	_ =	shalt  }
0x57: {  	_ =	shalt  }
0x58: {  	_ =	shalt  }
0x59: {  	_ =	shalt  }
0x5a: {  	_ =	shalt  }
0x5b: {  	_ =	shalt  }
0x5c: {  	_ =	shalt  }
0x5d: {  	_ =	shalt  }
0x5e: {  	_ =	shalt  }
0x5f: {  	_ =	shalt  }
0x60: {  	_ =	shalt  }
0x61: {  	_ =	shalt  }
0x62: {  	_ =	shalt  }
0x63: {  	_ =	shalt  }
0x64: {  	_ =	shalt  }
0x65: {  	_ =	shalt  }
0x66: {  	_ =	shalt  }
0x67: {  	_ =	shalt  }
0x68: {  	_ =	shalt  }
0x69: {  	_ =	shalt  }
0x6a: {  	_ =	shalt  }
0x6b: {  	_ =	shalt  }
0x6c: {  	_ =	shalt  }
0x6d: {  	_ =	shalt  }
0x6e: {  	_ =	shalt  }
0x6f: {  	_ =	shalt  }
0x70: {  	_ =	shalt  }
0x71: {  	_ =	shalt  }
0x72: {  	_ =	shalt  }
0x73: {  	_ =	shalt  }
0x74: {  	_ =	shalt  }
0x75: {  	_ =	shalt  }
0x76: {  	_ =	shalt  }
0x77: {  	_ =	shalt  }
0x78: {  	_ =	shalt  }
0x79: {  	_ =	shalt  }
0x7a: {  	_ =	shalt  }
0x7b: {  	_ =	shalt  }
0x7c: {  	_ =	shalt  }
0x7d: {  	_ =	shalt  }
0x7e: {  	_ =	shalt  }
0x7f: {  	_ =	shalt  }
0x80: {  	_ =	shalt  }
0x81: {  	_ =	shalt  }
0x82: {  	_ =	shalt  }
0x83: {  	_ =	shalt  }
0x84: {  	_ =	shalt  }
0x85: {  	_ =	shalt  }
0x86: {  	_ =	shalt  }
0x87: {  	_ =	shalt  }
.Lfunc_end0:
.L_simem_size_0:
called_computation_lowered:
.L_overlay_start_0:
0x88: {  	s2 =	sld [smem:$0x3FD9]  }
0x89: {  	s3 =	sld [smem:$0x3FFE];
	_ =	sdelay $0x1  }
0x8a: {  	s1 =	srdreg.scid  }
0x8b: {  	s0 =	sand.u32 $0x1, s1  }
0x8c: {  	s16 =	sshll.u32 s0, $0xA;
	s2 =	sadd.s32 s3, s2  }
0x8d: {  	s2 =	sadd.s32 s2, s16  }
0x8e: {  	[smem:$0x3FC4] =	sst s2  }
0x8f: {  	_ = 	snop  }
0x90: {  	(tm) =	ssettm $0x1  }
0x91: {  	s17 =	sld [smem:$0x3FFB];
	_ =	sdelay $0x3  }
0x92: {  	_ =	strace s17  }
0x93: {  	s2 =	sld [smem:$0x3FFC];
	_ =	sdelay $0x3  }
0x94: {  	_ =	strace s2  }
0x95: {  	s2 =	sld [smem:$0x3FFD];
	_ =	sdelay $0x3  }
0x96: {  	_ =	strace s2  }
0x97: {  	_ =	strace $0x8FFFFFFF  }
0x98: {  	s18 =	sld [smem:$0x3FDB];
	_ =	sdelay $0x1  }
0x99: {  	s19 =	simm.s32 $_scs_section_size  }
0x9a: {  	s4 =	simm.s32 $_size__tile_overlayer_lowered;
	s5 =	simm.s32 $_tile_overlayer_lowered  }
0x9b: {  	s22 =	simm.s32 $0x1BFF;
	s21 =	sshll.u32 s5, $0x1;
	s2 =	sadd.s32 s19, s18  }
0x9c: {  	s6 =	simm.s32 $0x0;
	s20 =	sshll.u32 s4, $0x1;
	s4 =	sadd.s32 s21, s2  }
0x9d: {  	[timem:s6], [sflag:s22] =	dma.local [hbm:s4], s20  }
0x9e: {  	_ =	swait.ge [sflag:s22], s20  }
0x9f: {  	s3 =	ssub.s32 $0x0, s20;
	[sflag:s22] =	ssyncset.done $0x0  }
0xa0: {  	[sflag:s22] =	ssyncadd.s32 s3;
	_ =	sdelay $0x1  }
0xa1: {  	s23 =	simm.s32 $0x1B8B  }
0xa2: {  	_ =	swait.ge [sflag:s23], $0x1  }
0xa3: {  	[sflag:s23] =	ssyncset.done $0x0  }
0xa4: {  	s25 =	simm.s32 $0x1B8E;
	s24 =	sld [smem:$0x3FFE];
	[sflag:s23] =	ssyncadd.s32 $0xFFFFFFFF  }
0xa5: {  	s26 =	simm.s32 $execute0_lowered;
	[smem:$0x3FD2] =	sst s25  }
0xa6: {  	s4 =	sshll.u32 s26, $0x1;
	_ =	strace $0x80000046;
	[dreg:$0x1] =	wrdreg $0xFFFFFFFF  }
0xa7: {  	s28 =	simm.s32 $_size_execute0_lowered;
	s2 =	sadd.s32 s2, s4;
	[dreg:$0x0] =	wrdreg $0x0  }
0xa8: {  	s4 =	sshll.u32 s28, $0x1;
	[dreg:$0x2] =	wrdreg s2  }
0xa9: {  	[dreg:$0x3] =	wrdreg s4  }
0xaa: {  	[dreg:$0x4] =	wrdreg $0xC0  }
0xab: {  	_ =	task [dreg:s6], $0x5FFFF  }
0xac: {  	[dreg:$0x1] =	wrdreg $0xFFFFFFFF  }
0xad: {  	[dreg:$0x0] =	wrdreg $0x60  }
0xae: {  	[dreg:$0x2] =	wrdreg s24  }
0xaf: {  	[dreg:$0x3] =	wrdreg $0x9  }
0xb0: {  	_ =	task.clear_ibuf [dreg:s6], $0x4FFFF;
	_ =	strace $0x90000046  }
0xb1: {  	s29 =	simm.s32 $0x9;
	_ =	strace $0x80000048  }
0xb2: {  	_ =	swait.ge [sflag:s29], $0x1  }
0xb3: {  	[sflag:s29] =	ssyncadd.s32 $0xFFFFFFFF  }
0xb4: {  	_ =	strace $0x90000048  }
0xb5: {  	_ =	sfence  }
0xb6: {  	s30 =	sld [smem:$0x0];
	_ =	sdelay $0x2  }
0xb7: {  	s31 =	sshll.u32 s1, $0xD;
	s1 =	sshrl.u32 s1, $0x2  }
0xb8: {  	s3 =	sand.u32 $0x4000, s31;
	s1 =	sadd.s32 s1, s30  }
0xb9: {  	s0 =	sor.u32 s3, s0;
	s1 =	sshll.u32 s1, $0x11  }
0xba: {  	s0 =	sor.u32 s1, s0  }
0xbb: {  	s0 =	sadd.s32 $0x8F2B, s0  }
0xbc: {  	[sflag:s0] =	ssyncadd.remote.s32 $0x1  }
0xbd: {  	_ =	sfence.sel $0xFFFF  }
0xbe: {  	[dreg:$0x0] =	wrdreg $0xFFFFFFFF;
	(pc) =	sbr.abs _section_cstart, $3  }
0xbf: {  	[dreg:$0x1] =	wrdreg $0xFFFFFFFF  }
0xc0: {  	_ =	task.clear_ibuf [dreg:s6], $0x2FFFF;
	_ =	strace $0x9FFFFFFF  }
0xc1: {  	(tm) =	ssettm $0x7FFFFFFF  }
tec
execute0_lowered:
.L_overlay_start_1:
0x0: {  	(tag) =	ssettag $0x1  }
0x1: {  	s1 =	srdreg.scid  }
0x2: {  	s0 =	stileid.u32;
	s4 =	rddreg [dreg:$0x0];
	s2 =	simm.s32 $0x0  }
0x3: {  	s9 =	simm.s32 $0x280;
	s10 =	simm.s32 $0x1280;
	s11 =	simm.s32 $0x100  }
0x4: {  	s12 =	simm.s32 $0x2280;
	s13 =	simm.s32 $0x180;
	s14 =	simm.s32 $0x3280  }
0x5: {  	s15 =	simm.s32 $0x200;
	s16 =	simm.s32 $0x4280;
	s17 =	simm.s32 $0x1  }
0x6: {  	s18 =	simm.s32 $0x5280;
	s3 =	sand.u32 $0x1, s1;
	s1 =	rddreg [dreg:$0x1]  }
0x7: {  	s19 =	simm.s32 $0x0;
	s31 =	sshll.u32 s0, $0x1;
	[smem:$0x7FF] =	sst s2  }
0x8: {  	s5 =	sor.u32 s3, s31;
	_ =	strace $0x80000047;
	s7 =	ssub.s32 $0x2, s3  }
0x9: {  	s6 =	smul.u32 $0x50, s5;
	s5 =	sshll.u32 s5, $0x7;
	s8 =	sshrl.u32 s7, $0x1  }
0xa: {  	s3 =	sadd.s32 $0x1000, s4;
	s5 =	sadd.s32 s5, s4;
	s7 =	ssub.s32 s7, s8  }
0xb: {  	s8 =	simm.s32 $0x80;
	s6 =	sadd.s32 s6, s4;
	s5 =	sadd.s32 $0x62C00, s5  }
0xc: {  	s4 =	sadd.s32 $0x600, s6;
	s6 =	smax.u32 s7, $0x1;
	s7 =	simm.s32 $0x2  }
.LBB2_1:
0xd: {  	[tilespmem:s2], [sflag:$0x2] =	stream.linear.gather [hbm4b:s4+s2], $0x280, $0x38;
	[tilespmem:$0x5680] =	vst v63  }
0xe: {  	_ =	swait.ge [sflag:s7], $0x280  }
0xf: {  	[sflag:s7] =	ssyncset.done $0x0  }
0x10: {  	[sflag:s7] =	ssyncadd.s32 $0xFFFFFD80  }
0x11: {  	[tilespmem:s9], [sflag:$0x1] =	stream.indirect.gather [hbm4b:s3+s8], $0x20, s2, s8, $0xb8;
	[tilespmem:$0x5680] =	vst v63  }
0x12: {  	_ = 	snop  }
0x13: {  	[tilespmem:s10], [sflag:$0x1] =	stream.indirect.gather [hbm4b:s3+s8], $0x20, s8, s8, $0xb8;
	[tilespmem:$0x5680] =	vst v63  }
0x14: {  	_ = 	snop  }
0x15: {  	[tilespmem:s12], [sflag:$0x1] =	stream.indirect.gather [hbm4b:s3+s8], $0x20, s11, s8, $0xb8;
	[tilespmem:$0x5680] =	vst v63  }
0x16: {  	_ = 	snop  }
0x17: {  	[tilespmem:s14], [sflag:$0x1] =	stream.indirect.gather [hbm4b:s3+s8], $0x20, s13, s8, $0xb8;
	[tilespmem:$0x5680] =	vst v63  }
0x18: {  	_ = 	snop  }
0x19: {  	[tilespmem:s16], [sflag:$0x1] =	stream.indirect.gather [hbm4b:s3+s8], $0x20, s15, s8, $0xb8;
	[tilespmem:$0x5680] =	vst v63  }
0x1a: {  	_ =	swait.ge [sflag:s17], $0x1000  }
0x1b: {  	[sflag:s17] =	ssyncset.done $0x0  }
0x1c: {  	[sflag:s17] =	ssyncadd.s32 $0xFFFFF000  }
0x1d: {  	_ =	swait.ge [sflag:s17], $0x1000  }
0x1e: {  	[sflag:s17] =	ssyncset.done $0x0  }
0x1f: {  	[sflag:s17] =	ssyncadd.s32 $0xFFFFF000  }
0x20: {  	_ =	swait.ge [sflag:s17], $0x1000  }
0x21: {  	[sflag:s17] =	ssyncset.done $0x0  }
0x22: {  	[sflag:s17] =	ssyncadd.s32 $0xFFFFF000  }
0x23: {  	_ =	swait.ge [sflag:s17], $0x1000  }
0x24: {  	[sflag:s17] =	ssyncset.done $0x0  }
0x25: {  	[sflag:s17] =	ssyncadd.s32 $0xFFFFF000  }
0x26: {  	_ =	swait.ge [sflag:s17], $0x1000  }
0x27: {  	[sflag:s17] =	ssyncset.done $0x0  }
0x28: {  	s20 =	simm.s32 $0x3C0;
	[sflag:s17] =	ssyncadd.s32 $0xFFFFF000  }
0x29: {  	v0 =	vld [tilespmem:s20+$0xFFFFFEC0]  }
0x2a: {  	v1 =	vld [tilespmem:s20+$0xFFFFFED0]  }
0x2b: {  	v2 =	vld [tilespmem:s20+$0xFFFFFEE0]  }
0x2c: {  	v3 =	vld [tilespmem:s20+$0xFFFFFEF0]  }
0x2d: {  	v4 =	vld [tilespmem:s20+$0xFFFFFF00]  }
0x2e: {  	v5 =	vld [tilespmem:s20+$0xFFFFFF10];
	v0 =	vadd.f32 $0.0e+00, v0  }
0x2f: {  	v6 =	vld [tilespmem:s20+$0xFFFFFF20]  }
0x30: {  	v7 =	vld [tilespmem:s20+$0xFFFFFF40];
	v1 =	vadd.f32 $0.0e+00, v1;
	v0 =	vadd.f32 v2, v0  }
0x31: {  	v2 =	vld [tilespmem:s20+$0xFFFFFF30]  }
0x32: {  	v44 =	vld [tilespmem:s20+$0xFFFFFF60];
	v1 =	vadd.f32 v3, v1;
	v0 =	vadd.f32 v4, v0  }
0x33: {  	v3 =	vld [tilespmem:s20+$0xFFFFFF50]  }
0x34: {  	v45 =	vld [tilespmem:s20+$0xFFFFFF70];
	v1 =	vadd.f32 v5, v1;
	v0 =	vadd.f32 v6, v0  }
0x35: {  	v46 =	vld [tilespmem:s20+$0xFFFFFF80]  }
0x36: {  	v47 =	vld [tilespmem:s20+$0xFFFFFFA0];
	v1 =	vadd.f32 v2, v1;
	v0 =	vadd.f32 v7, v0  }
0x37: {  	v2 =	vld [tilespmem:s20+$0xFFFFFF90]  }
0x38: {  	v48 =	vld [tilespmem:s20+$0xFFFFFFC0];
	v1 =	vadd.f32 v3, v1;
	v0 =	vadd.f32 v44, v0  }
0x39: {  	v3 =	vld [tilespmem:s20+$0xFFFFFFB0]  }
0x3a: {  	v49 =	vld [tilespmem:s20+$0xFFFFFFD0];
	v1 =	vadd.f32 v45, v1;
	v0 =	vadd.f32 v46, v0  }
0x3b: {  	v50 =	vld [tilespmem:s20+$0xFFFFFFE0]  }
0x3c: {  	v51 =	vld [tilespmem:s20+$0x0];
	v1 =	vadd.f32 v2, v1;
	v0 =	vadd.f32 v47, v0  }
0x3d: {  	v2 =	vld [tilespmem:s20+$0xFFFFFFF0]  }
0x3e: {  	v52 =	vld [tilespmem:s20+$0x20];
	v1 =	vadd.f32 v3, v1;
	v0 =	vadd.f32 v48, v0  }
0x3f: {  	v3 =	vld [tilespmem:s20+$0x10]  }
0x40: {  	v53 =	vld [tilespmem:s20+$0x30];
	v1 =	vadd.f32 v49, v1;
	v0 =	vadd.f32 v50, v0  }
0x41: {  	v54 =	vld [tilespmem:s20+$0x40]  }
0x42: {  	v55 =	vld [tilespmem:s20+$0x60];
	v1 =	vadd.f32 v2, v1;
	v0 =	vadd.f32 v51, v0  }
0x43: {  	v2 =	vld [tilespmem:s20+$0x50]  }
0x44: {  	v56 =	vld [tilespmem:s20+$0x80];
	v1 =	vadd.f32 v3, v1;
	v0 =	vadd.f32 v52, v0  }
0x45: {  	v3 =	vld [tilespmem:s20+$0x70]  }
0x46: {  	v57 =	vld [tilespmem:s20+$0x90];
	v1 =	vadd.f32 v53, v1;
	v0 =	vadd.f32 v54, v0  }
0x47: {  	v58 =	vld [tilespmem:s20+$0xA0]  }
0x48: {  	v59 =	vld [tilespmem:s20+$0xC0];
	v1 =	vadd.f32 v2, v1;
	v0 =	vadd.f32 v55, v0  }
0x49: {  	v2 =	vld [tilespmem:s20+$0xB0]  }
0x4a: {  	v60 =	vld [tilespmem:s20+$0xE0];
	v1 =	vadd.f32 v3, v1;
	v0 =	vadd.f32 v56, v0  }
0x4b: {  	v3 =	vld [tilespmem:s20+$0xD0]  }
0x4c: {  	v61 =	vld [tilespmem:s20+$0xF0];
	v1 =	vadd.f32 v57, v1;
	v0 =	vadd.f32 v58, v0  }
0x4d: {  	v62 =	vld [tilespmem:s20+$0x100]  }
0x4e: {  	v63 =	vld [tilespmem:s20+$0x120];
	v1 =	vadd.f32 v2, v1;
	v0 =	vadd.f32 v59, v0  }
0x4f: {  	v2 =	vld [tilespmem:s20+$0x110]  }
0x50: {  	v1 =	vadd.f32 v3, v1;
	v0 =	vadd.f32 v60, v0  }
0x51: {  	v3 =	vld [tilespmem:s20+$0x130]  }
0x52: {  	v1 =	vadd.f32 v61, v1;
	v0 =	vadd.f32 v62, v0;
	_ =	sdelay $0x1  }
0x53: {  	v1 =	vadd.f32 v2, v1;
	v0 =	vadd.f32 v63, v0;
	_ =	sdelay $0x1  }
0x54: {  	v1 =	vadd.f32 v3, v1;
	v2 =	vmul.f32 $5.000000070e-02, v0  }
0x55: {  	s22 =	simm.s32 $0x0  }
0x56: {  	s21 =	simm.s32 $0x80;
	v0 =	vmul.f32 $5.000000070e-02, v1;
	[tilespmem:s22+$0x5280] =	vst v2  }
.LBB2_2:
0x57: {  	p0 =	sne.s32 s21, $0xF80  }
0x58: {  	[tilespmem:s22+$0x5290] =	vst v0;
	s20 =	sadd.s32 $0x280, s20;
	s22 =	smov.u32 s21;
	s21 =	sadd.s32 $0x80, s21  }
0x59: {  	v0 =	vld [tilespmem:s20+$0xFFFFFEC0]  }
0x5a: {  	v1 =	vld [tilespmem:s20+$0xFFFFFED0]  }
0x5b: {  	v2 =	vld [tilespmem:s20+$0xFFFFFEE0]  }
0x5c: {  	v3 =	vld [tilespmem:s20+$0xFFFFFEF0]  }
0x5d: {  	v4 =	vld [tilespmem:s20+$0xFFFFFF00]  }
0x5e: {  	v0 =	vadd.f32 $0.0e+00, v0;
	v5 =	vld [tilespmem:s20+$0xFFFFFF10]  }
0x5f: {  	v1 =	vadd.f32 $0.0e+00, v1;
	v6 =	vld [tilespmem:s20+$0xFFFFFF20]  }
0x60: {  	v0 =	vadd.f32 v2, v0;
	v2 =	vld [tilespmem:s20+$0xFFFFFF30]  }
0x61: {  	v1 =	vadd.f32 v3, v1;
	v3 =	vld [tilespmem:s20+$0xFFFFFF40]  }
0x62: {  	v0 =	vadd.f32 v4, v0;
	v4 =	vld [tilespmem:s20+$0xFFFFFF50]  }
0x63: {  	v1 =	vadd.f32 v5, v1;
	v5 =	vld [tilespmem:s20+$0xFFFFFF60]  }
0x64: {  	v0 =	vadd.f32 v6, v0;
	v6 =	vld [tilespmem:s20+$0xFFFFFF70]  }
0x65: {  	v1 =	vadd.f32 v2, v1;
	v2 =	vld [tilespmem:s20+$0xFFFFFF80]  }
0x66: {  	v0 =	vadd.f32 v3, v0;
	v3 =	vld [tilespmem:s20+$0xFFFFFF90]  }
0x67: {  	v1 =	vadd.f32 v4, v1;
	v4 =	vld [tilespmem:s20+$0xFFFFFFA0]  }
0x68: {  	v0 =	vadd.f32 v5, v0;
	v5 =	vld [tilespmem:s20+$0xFFFFFFB0]  }
0x69: {  	v1 =	vadd.f32 v6, v1;
	v6 =	vld [tilespmem:s20+$0xFFFFFFC0]  }
0x6a: {  	v0 =	vadd.f32 v2, v0;
	v2 =	vld [tilespmem:s20+$0xFFFFFFD0]  }
0x6b: {  	v1 =	vadd.f32 v3, v1;
	v3 =	vld [tilespmem:s20+$0xFFFFFFE0]  }
0x6c: {  	v0 =	vadd.f32 v4, v0;
	v4 =	vld [tilespmem:s20+$0xFFFFFFF0]  }
0x6d: {  	v1 =	vadd.f32 v5, v1;
	v5 =	vld [tilespmem:s20+$0x0]  }
0x6e: {  	v0 =	vadd.f32 v6, v0;
	v6 =	vld [tilespmem:s20+$0x10]  }
0x6f: {  	v1 =	vadd.f32 v2, v1;
	v2 =	vld [tilespmem:s20+$0x20]  }
0x70: {  	v0 =	vadd.f32 v3, v0;
	v3 =	vld [tilespmem:s20+$0x30]  }
0x71: {  	v1 =	vadd.f32 v4, v1;
	v4 =	vld [tilespmem:s20+$0x40]  }
0x72: {  	v0 =	vadd.f32 v5, v0;
	v5 =	vld [tilespmem:s20+$0x50]  }
0x73: {  	v1 =	vadd.f32 v6, v1;
	v6 =	vld [tilespmem:s20+$0x60]  }
0x74: {  	v0 =	vadd.f32 v2, v0;
	v2 =	vld [tilespmem:s20+$0x70]  }
0x75: {  	v1 =	vadd.f32 v3, v1;
	v3 =	vld [tilespmem:s20+$0x80]  }
0x76: {  	v0 =	vadd.f32 v4, v0;
	v4 =	vld [tilespmem:s20+$0x90]  }
0x77: {  	v1 =	vadd.f32 v5, v1;
	v5 =	vld [tilespmem:s20+$0xA0]  }
0x78: {  	v0 =	vadd.f32 v6, v0;
	v6 =	vld [tilespmem:s20+$0xB0]  }
0x79: {  	v1 =	vadd.f32 v2, v1;
	v2 =	vld [tilespmem:s20+$0xC0]  }
0x7a: {  	v0 =	vadd.f32 v3, v0;
	v3 =	vld [tilespmem:s20+$0xD0]  }
0x7b: {  	v1 =	vadd.f32 v4, v1;
	v4 =	vld [tilespmem:s20+$0xE0]  }
0x7c: {  	v0 =	vadd.f32 v5, v0;
	v5 =	vld [tilespmem:s20+$0xF0]  }
0x7d: {  	v1 =	vadd.f32 v6, v1;
	v6 =	vld [tilespmem:s20+$0x100]  }
0x7e: {  	v0 =	vadd.f32 v2, v0;
	v2 =	vld [tilespmem:s20+$0x110]  }
0x7f: {  	v1 =	vadd.f32 v3, v1;
	v3 =	vld [tilespmem:s20+$0x120]  }
0x80: {  	v0 =	vadd.f32 v4, v0;
	v4 =	vld [tilespmem:s20+$0x130]  }
0x81: {  	v1 =	vadd.f32 v5, v1  }
0x82: {  	v0 =	vadd.f32 v6, v0  }
0x83: {  	v1 =	vadd.f32 v2, v1  }
.Ltmp0:
0x84: {  	v0 =	vadd.f32 v3, v0;
	(pc) =	sbr.rel @p0 .LBB2_2-.Ltmp0, $4  }
0x85: {  	v1 =	vadd.f32 v4, v1  }
0x86: {  	v2 =	vmul.f32 $5.000000070e-02, v0  }
0x87: {  	s22 =	sshra.s32 s22, $0x2;
	v0 =	vmul.f32 $5.000000070e-02, v1  }
0x88: {  	[tilespmem:s22+$0x5280] =	vst v2  }
0x89: {  	s19 =	sadd.s32 $0x1, s19  }
0x8a: {  	p0 =	sne.s32 s19, s6  }
.Ltmp1:
0x8b: {  	[tilespmem:s22+$0x5290] =	vst v0;
	(pc) =	sbr.rel @p0 .LBB2_1-.Ltmp1, $4  }
0x8c: {  	[hbm4b:s5+s2] =	stream.linear.scatter [tilespmem:s18], [sflag:$0x2], $0x400, $0x38;
	[tilespmem:$0x5680] =	vst v63  }
0x8d: {  	_ =	swait.ge [sflag:s7], $0x400  }
0x8e: {  	[sflag:s7] =	ssyncset.done $0x0  }
0x8f: {  	[sflag:s7] =	ssyncadd.s32 $0xFFFFFC00  }
0x90: {  	_ =	sfence.sel $0x180000  }
0x91: {  	[bflag:$0x0] =	sbarrier.arrive $0xFFFF  }
0x92: {  	p0 =	sne.s32 s0, $0x0;
	_ =	strace $0x90000047  }
0x93: {  	s0 =	sadd.s32 @!p0 $0x100000, s1;
	[bflag:$0x2] =	sbarrier.arrive $0xFFFF  }
0x94: {  	[sflag:s0] =	ssyncadd.tile.s32 @!p0 $0x1;
	_ =	shalt  }
.Lfunc_end2:
_tile_overlayer_lowered:
.L_overlay_start_2:
0x95: {  	(tag) =	ssettag $0x2  }
0x96: {  	s0 =	rddreg [dreg:$0x0];
	s2 =	stileid.u32  }
0x97: {  	s1 =	rddreg [dreg:$0x1];
	p0 =	sne.s32 s2, $0x0  }
0x98: {  	s3 =	rddreg [dreg:$0x2];
	[bflag:$0x3] =	sbarrier.arrive $0xFFFF;
	s2 =	simm.s32 @!p0 $0x1C02  }
0x99: {  	[timem:s3], [sflag:s2] =	dma.local @!p0 [hbm:s0], s1  }
0x9a: {  	s0 =	simm.s32 @!p0 $0x2  }
0x9b: {  	_ =	swait.ge @!p0 [sflag:s0], s1  }
0x9c: {  	s1 =	ssub.s32 @!p0 $0x0, s1;
	[sflag:s0] =	ssyncset.done @!p0 $0x0  }
0x9d: {  	[sflag:s0] =	ssyncadd.s32 @!p0 s1  }
0x9e: {  	[bflag:$0x3] =	sbarrier.arrive $0xFFFF  }
0x9f: {  	_ =	shalt  }

</sc_bundles>
